<compile_context>
chip_gen: v7x
topology: tpu7x:2x2x1
jax: 0.10.2.dev20260603
libtpu: 0.0.44.dev20260713+nightly
codegen_flags: <defaults>
</compile_context>

<pallas_src>
import jax
import jax.numpy as jnp
from jax import lax
from jax.experimental import pallas as pl
from jax.experimental.pallas import tpu as pltpu
from jax.experimental.pallas import tpu_sc as plsc

_B = 16384
_D = 32
_NC = 2
_NS = 16
_NW = _NC * _NS
_BPW = _B // _NW
_LANES = 16
_NSTEP = _BPW // _LANES


def _gmf_body(tidx_u_hbm, tidx_i_hbm, utab_hbm,
              itab_hbm, wb_hbm, bias_hbm, out_hbm,
              tidx_u_v, tidx_i_v, urows_v, irows_v,
              wb_v, bias_v, out_v, sem0, sem1, sem2, sem3):
    sems = (sem0, sem1, sem2, sem3)
    wid = lax.axis_index("s") * _NC + lax.axis_index("c")
    base = wid * _BPW

    pltpu.sync_copy(tidx_u_hbm.at[pl.ds(base, _BPW)], tidx_u_v)
    pltpu.sync_copy(tidx_i_hbm.at[pl.ds(base, _BPW)], tidx_i_v)
    pltpu.sync_copy(wb_hbm, wb_v)
    pltpu.sync_copy(bias_hbm, bias_v)

    bias = bias_v[...]
    wcols = [wb_v[pl.ds(d * _LANES, _LANES)] for d in range(_D)]
    riota = lax.iota(jnp.int32, _LANES)

    def step(s, carry):
        off = s * _LANES
        tu = tidx_u_v[pl.ds(off, _LANES)]
        ti = tidx_i_v[pl.ds(off, _LANES)]
        for h in range(2):
            copies = []
            for k in range(h * 8, h * 8 + 8):
                copies.append(pltpu.async_copy(
                    utab_hbm.at[pl.ds(tu[k], 1)], urows_v.at[pl.ds(k, 1)],
                    sems[(2 * k) % 4]))
                copies.append(pltpu.async_copy(
                    itab_hbm.at[pl.ds(ti[k], 1)], irows_v.at[pl.ds(k, 1)],
                    sems[(2 * k + 1) % 4]))
            for c in copies:
                c.wait()
        acc = bias
        for d in range(_D):
            cd = jnp.full((_LANES,), d, jnp.int32)
            u = plsc.load_gather(urows_v, [riota, cd])
            it = plsc.load_gather(irows_v, [riota, cd])
            acc = acc + u * it * wcols[d]
        out_v[pl.ds(off, _LANES)] = acc
        return carry

    lax.fori_loop(0, _NSTEP, step, 0)

    pltpu.sync_copy(out_v, out_hbm.at[pl.ds(base, _BPW)])


def kernel(user_indices, item_indices, user_table, item_table, fc_w, fc_b):
    tidx_u = user_indices.astype(jnp.int32)
    tidx_i = item_indices.astype(jnp.int32)
    utab = user_table
    itab = item_table
    w = fc_w.reshape(_D).astype(jnp.float32)
    wb = jnp.broadcast_to(w[:, None], (_D, _LANES)).reshape(_D * _LANES)
    bias = jnp.broadcast_to(fc_b.reshape(()), (_LANES,)).astype(jnp.float32)

    run = pl.kernel(
        _gmf_body,
        out_type=jax.ShapeDtypeStruct((_B,), jnp.float32),
        mesh=plsc.VectorSubcoreMesh(
            core_axis_name="c", subcore_axis_name="s",
            num_cores=_NC, num_subcores=_NS),
        compiler_params=pltpu.CompilerParams(needs_layout_passes=False),
        scratch_types=[
            pltpu.VMEM((_BPW,), jnp.int32),
            pltpu.VMEM((_BPW,), jnp.int32),
            pltpu.VMEM((_LANES, _D), jnp.float32),
            pltpu.VMEM((_LANES, _D), jnp.float32),
            pltpu.VMEM((_D * _LANES,), jnp.float32),
            pltpu.VMEM((_LANES,), jnp.float32),
            pltpu.VMEM((_BPW,), jnp.float32),
            pltpu.SemaphoreType.DMA,
            pltpu.SemaphoreType.DMA,
            pltpu.SemaphoreType.DMA,
            pltpu.SemaphoreType.DMA,
        ],
    )
    out = run(tidx_u, tidx_i, utab, itab, wb, bias)
    return out.reshape(_B, 1)

# --- scband reference (transcript-rebuilt; emitter-appended) ---
"""Pipeline reference for scband-gmf-21053929685252 (READ-ONLY COPY).

The authoritative reference and input builder live on the scoring server;
editing this copy changes nothing except your own understanding.
"""

import jax, jax.numpy as jnp
import numpy as np

NUM_USERS = 1000000
NUM_ITEMS = 1000000
LATENT_DIM = 32
BATCH = 16384

def setup_inputs(seed: int = 0) -> dict:
    key = jax.random.key(seed)
    k1, k2, k3, k4, k5, k6 = jax.random.split(key, 6)
    user_indices = jax.random.randint(k1, (BATCH,), 0, NUM_USERS, dtype=jnp.int64 if jax.config.jax_enable_x64 else jnp.int32)
    item_indices = jax.random.randint(k2, (BATCH,), 0, NUM_ITEMS, dtype=jnp.int64 if jax.config.jax_enable_x64 else jnp.int32)
    user_table = jax.random.normal(k3, (NUM_USERS, LATENT_DIM), dtype=jnp.float32)
    item_table = jax.random.normal(k4, (NUM_ITEMS, LATENT_DIM), dtype=jnp.float32)
    fc_w = jax.random.normal(k5, (1, LATENT_DIM), dtype=jnp.float32) * (1.0 / np.sqrt(LATENT_DIM))
    fc_b = jax.random.normal(k6, (1,), dtype=jnp.float32) * 0.01
    return {"user_indices": user_indices, "item_indices": item_indices, "user_table": user_table, "item_table": item_table, "fc_w": fc_w, "fc_b": fc_b}

def reference(user_indices, item_indices, user_table, item_table, fc_w, fc_b):
    # Embedding lookups (gathers)
    user_embedding = jnp.take(user_table, user_indices, axis=0)  # [B, D]
    item_embedding = jnp.take(item_table, item_indices, axis=0)  # [B, D]
    # Flatten is a no-op for [B, D]
    element_product = user_embedding * item_embedding  # [B, D]
    rating = element_product @ fc_w.T + fc_b  # [B, 1]
    return rating

if __name__ == "__main__":
    import jax
    _d = setup_inputs()
    print(jax.jit(kernel)(*tuple(_d.values())))

</pallas_src>

<mosaic_0001>
#map = affine_map<(d0, d1) -> (0)>
#map1 = affine_map<(d0, d1) -> (0, 0)>
module attributes {stable_mosaic.version = 14 : i64} {
  func.func @_gmf_body(%arg0: i32, %arg1: i32, %arg2: memref<16384xi32, #tpu.memory_space<hbm>>, %arg3: memref<16384xi32, #tpu.memory_space<hbm>>, %arg4: memref<1000000x32xf32, #tpu.memory_space<hbm>>, %arg5: memref<1000000x32xf32, #tpu.memory_space<hbm>>, %arg6: memref<512xf32, #tpu.memory_space<hbm>>, %arg7: memref<16xf32, #tpu.memory_space<hbm>>, %arg8: memref<16384xf32, #tpu.memory_space<hbm>>, %arg9: memref<512xi32, #tpu.memory_space<vmem>>, %arg10: memref<512xi32, #tpu.memory_space<vmem>>, %arg11: memref<16x32xf32, #tpu.memory_space<vmem>>, %arg12: memref<16x32xf32, #tpu.memory_space<vmem>>, %arg13: memref<512xf32, #tpu.memory_space<vmem>>, %arg14: memref<16xf32, #tpu.memory_space<vmem>>, %arg15: memref<512xf32, #tpu.memory_space<vmem>>, %arg16: memref<!tpu.dma_semaphore, #tpu.memory_space<semaphore_mem>>, %arg17: memref<!tpu.dma_semaphore, #tpu.memory_space<semaphore_mem>>, %arg18: memref<!tpu.dma_semaphore, #tpu.memory_space<semaphore_mem>>, %arg19: memref<!tpu.dma_semaphore, #tpu.memory_space<semaphore_mem>>) attributes {dimension_semantics = [#tpu.dimension_semantics<core_parallel>, #tpu.dimension_semantics<subcore_parallel>], iteration_bounds = array<i64: 2, 16>, scalar_prefetch = 0 : i64, scratch_operands = 11 : i64, tpu.core_type = #tpu.core_type<sc_vector_subcore>, window_params = [{transform_indices = #map}, {transform_indices = #map}, {transform_indices = #map1}, {transform_indices = #map1}, {transform_indices = #map}, {transform_indices = #map}, {transform_indices = #map}]} {
    %mul3A = arith.constant 2 : i32
    %mul3A_0 = arith.muli %arg1, %mul3A : i32
    %add3A = arith.addi %mul3A_0, %arg0 : i32
    %mul3A_1 = arith.constant 512 : i32
    %mul3A_2 = arith.muli %add3A, %mul3A_1 : i32
    "tpu.region"() ({
      %run_scoped3A = tpu.sem_alloc : memref<!tpu.dma_semaphore, #tpu.memory_space<semaphore_mem>>
      %dma_start3A = tpu.memref_slice %arg2[%mul3A_2] : memref<16384xi32, #tpu.memory_space<hbm>> -> memref<512xi32, #tpu.memory_space<hbm>>
      %dma_start3A_73 = tpu.memref_slice %arg2[%mul3A_2] : memref<16384xi32, #tpu.memory_space<hbm>> -> memref<512xi32, #tpu.memory_space<hbm>>
      tpu.enqueue_dma source(%dma_start3A_73 : memref<512xi32, #tpu.memory_space<hbm>>) target(%arg9 : memref<512xi32, #tpu.memory_space<vmem>>) target_semaphore(%run_scoped3A : memref<!tpu.dma_semaphore, #tpu.memory_space<semaphore_mem>>)
      %dma_wait3A = tpu.memref_slice %arg2[%mul3A_2] : memref<16384xi32, #tpu.memory_space<hbm>> -> memref<512xi32, #tpu.memory_space<hbm>>
      %dma_wait3A_74 = tpu.memref_slice %arg2[%mul3A_2] : memref<16384xi32, #tpu.memory_space<hbm>> -> memref<512xi32, #tpu.memory_space<hbm>>
      tpu.wait_dma2 semaphore(%run_scoped3A : memref<!tpu.dma_semaphore, #tpu.memory_space<semaphore_mem>>) src(%dma_wait3A_74 : memref<512xi32, #tpu.memory_space<hbm>>) dst(%arg9 : memref<512xi32, #tpu.memory_space<vmem>>)
      tpu.yield
    }) : () -> ()
    "tpu.region"() ({
      %run_scoped3A = tpu.sem_alloc : memref<!tpu.dma_semaphore, #tpu.memory_space<semaphore_mem>>
      %dma_start3A = tpu.memref_slice %arg3[%mul3A_2] : memref<16384xi32, #tpu.memory_space<hbm>> -> memref<512xi32, #tpu.memory_space<hbm>>
      %dma_start3A_73 = tpu.memref_slice %arg3[%mul3A_2] : memref<16384xi32, #tpu.memory_space<hbm>> -> memref<512xi32, #tpu.memory_space<hbm>>
      tpu.enqueue_dma source(%dma_start3A_73 : memref<512xi32, #tpu.memory_space<hbm>>) target(%arg10 : memref<512xi32, #tpu.memory_space<vmem>>) target_semaphore(%run_scoped3A : memref<!tpu.dma_semaphore, #tpu.memory_space<semaphore_mem>>)
      %dma_wait3A = tpu.memref_slice %arg3[%mul3A_2] : memref<16384xi32, #tpu.memory_space<hbm>> -> memref<512xi32, #tpu.memory_space<hbm>>
      %dma_wait3A_74 = tpu.memref_slice %arg3[%mul3A_2] : memref<16384xi32, #tpu.memory_space<hbm>> -> memref<512xi32, #tpu.memory_space<hbm>>
      tpu.wait_dma2 semaphore(%run_scoped3A : memref<!tpu.dma_semaphore, #tpu.memory_space<semaphore_mem>>) src(%dma_wait3A_74 : memref<512xi32, #tpu.memory_space<hbm>>) dst(%arg10 : memref<512xi32, #tpu.memory_space<vmem>>)
      tpu.yield
    }) : () -> ()
    "tpu.region"() ({
      %run_scoped3A = tpu.sem_alloc : memref<!tpu.dma_semaphore, #tpu.memory_space<semaphore_mem>>
      tpu.enqueue_dma source(%arg6 : memref<512xf32, #tpu.memory_space<hbm>>) target(%arg13 : memref<512xf32, #tpu.memory_space<vmem>>) target_semaphore(%run_scoped3A : memref<!tpu.dma_semaphore, #tpu.memory_space<semaphore_mem>>)
      tpu.wait_dma2 semaphore(%run_scoped3A : memref<!tpu.dma_semaphore, #tpu.memory_space<semaphore_mem>>) src(%arg6 : memref<512xf32, #tpu.memory_space<hbm>>) dst(%arg13 : memref<512xf32, #tpu.memory_space<vmem>>)
      tpu.yield
    }) : () -> ()
    "tpu.region"() ({
      %run_scoped3A = tpu.sem_alloc : memref<!tpu.dma_semaphore, #tpu.memory_space<semaphore_mem>>
      tpu.enqueue_dma source(%arg7 : memref<16xf32, #tpu.memory_space<hbm>>) target(%arg14 : memref<16xf32, #tpu.memory_space<vmem>>) target_semaphore(%run_scoped3A : memref<!tpu.dma_semaphore, #tpu.memory_space<semaphore_mem>>)
      tpu.wait_dma2 semaphore(%run_scoped3A : memref<!tpu.dma_semaphore, #tpu.memory_space<semaphore_mem>>) src(%arg7 : memref<16xf32, #tpu.memory_space<hbm>>) dst(%arg14 : memref<16xf32, #tpu.memory_space<vmem>>)
      tpu.yield
    }) : () -> ()
    %get3A = arith.constant 0 : index
    %get3A_3 = tpu.vector_load %arg14[%get3A] {strides = array<i32>} : memref<16xf32, #tpu.memory_space<vmem>>, vector<16xf32>,
    %get3A_4 = arith.constant 0 : index
    %get3A_5 = tpu.vector_load %arg13[%get3A_4] {strides = array<i32>} : memref<512xf32, #tpu.memory_space<vmem>>, vector<16xf32>,
    %get3A_6 = arith.constant 16 : index
    %get3A_7 = tpu.vector_load %arg13[%get3A_6] {strides = array<i32>} : memref<512xf32, #tpu.memory_space<vmem>>, vector<16xf32>,
    %get3A_8 = arith.constant 32 : index
    %get3A_9 = tpu.vector_load %arg13[%get3A_8] {strides = array<i32>} : memref<512xf32, #tpu.memory_space<vmem>>, vector<16xf32>,
    %get3A_10 = arith.constant 48 : index
    %get3A_11 = tpu.vector_load %arg13[%get3A_10] {strides = array<i32>} : memref<512xf32, #tpu.memory_space<vmem>>, vector<16xf32>,
    %get3A_12 = arith.constant 64 : index
    %get3A_13 = tpu.vector_load %arg13[%get3A_12] {strides = array<i32>} : memref<512xf32, #tpu.memory_space<vmem>>, vector<16xf32>,
    %get3A_14 = arith.constant 80 : index
    %get3A_15 = tpu.vector_load %arg13[%get3A_14] {strides = array<i32>} : memref<512xf32, #tpu.memory_space<vmem>>, vector<16xf32>,
    %get3A_16 = arith.constant 96 : index
    %get3A_17 = tpu.vector_load %arg13[%get3A_16] {strides = array<i32>} : memref<512xf32, #tpu.memory_space<vmem>>, vector<16xf32>,
    %get3A_18 = arith.constant 112 : index
    %get3A_19 = tpu.vector_load %arg13[%get3A_18] {strides = array<i32>} : memref<512xf32, #tpu.memory_space<vmem>>, vector<16xf32>,
    %get3A_20 = arith.constant 128 : index
    %get3A_21 = tpu.vector_load %arg13[%get3A_20] {strides = array<i32>} : memref<512xf32, #tpu.memory_space<vmem>>, vector<16xf32>,
    %get3A_22 = arith.constant 144 : index
    %get3A_23 = tpu.vector_load %arg13[%get3A_22] {strides = array<i32>} : memref<512xf32, #tpu.memory_space<vmem>>, vector<16xf32>,
    %get3A_24 = arith.constant 160 : index
    %get3A_25 = tpu.vector_load %arg13[%get3A_24] {strides = array<i32>} : memref<512xf32, #tpu.memory_space<vmem>>, vector<16xf32>,
    %get3A_26 = arith.constant 176 : index
    %get3A_27 = tpu.vector_load %arg13[%get3A_26] {strides = array<i32>} : memref<512xf32, #tpu.memory_space<vmem>>, vector<16xf32>,
    %get3A_28 = arith.constant 192 : index
    %get3A_29 = tpu.vector_load %arg13[%get3A_28] {strides = array<i32>} : memref<512xf32, #tpu.memory_space<vmem>>, vector<16xf32>,
    %get3A_30 = arith.constant 208 : index
    %get3A_31 = tpu.vector_load %arg13[%get3A_30] {strides = array<i32>} : memref<512xf32, #tpu.memory_space<vmem>>, vector<16xf32>,
    %get3A_32 = arith.constant 224 : index
    %get3A_33 = tpu.vector_load %arg13[%get3A_32] {strides = array<i32>} : memref<512xf32, #tpu.memory_space<vmem>>, vector<16xf32>,
    %get3A_34 = arith.constant 240 : index
    %get3A_35 = tpu.vector_load %arg13[%get3A_34] {strides = array<i32>} : memref<512xf32, #tpu.memory_space<vmem>>, vector<16xf32>,
    %get3A_36 = arith.constant 256 : index
    %get3A_37 = tpu.vector_load %arg13[%get3A_36] {strides = array<i32>} : memref<512xf32, #tpu.memory_space<vmem>>, vector<16xf32>,
    %get3A_38 = arith.constant 272 : index
    %get3A_39 = tpu.vector_load %arg13[%get3A_38] {strides = array<i32>} : memref<512xf32, #tpu.memory_space<vmem>>, vector<16xf32>,
    %get3A_40 = arith.constant 288 : index
    %get3A_41 = tpu.vector_load %arg13[%get3A_40] {strides = array<i32>} : memref<512xf32, #tpu.memory_space<vmem>>, vector<16xf32>,
    %get3A_42 = arith.constant 304 : index
    %get3A_43 = tpu.vector_load %arg13[%get3A_42] {strides = array<i32>} : memref<512xf32, #tpu.memory_space<vmem>>, vector<16xf32>,
    %get3A_44 = arith.constant 320 : index
    %get3A_45 = tpu.vector_load %arg13[%get3A_44] {strides = array<i32>} : memref<512xf32, #tpu.memory_space<vmem>>, vector<16xf32>,
    %get3A_46 = arith.constant 336 : index
    %get3A_47 = tpu.vector_load %arg13[%get3A_46] {strides = array<i32>} : memref<512xf32, #tpu.memory_space<vmem>>, vector<16xf32>,
    %get3A_48 = arith.constant 352 : index
    %get3A_49 = tpu.vector_load %arg13[%get3A_48] {strides = array<i32>} : memref<512xf32, #tpu.memory_space<vmem>>, vector<16xf32>,
    %get3A_50 = arith.constant 368 : index
    %get3A_51 = tpu.vector_load %arg13[%get3A_50] {strides = array<i32>} : memref<512xf32, #tpu.memory_space<vmem>>, vector<16xf32>,
    %get3A_52 = arith.constant 384 : index
    %get3A_53 = tpu.vector_load %arg13[%get3A_52] {strides = array<i32>} : memref<512xf32, #tpu.memory_space<vmem>>, vector<16xf32>,
    %get3A_54 = arith.constant 400 : index
    %get3A_55 = tpu.vector_load %arg13[%get3A_54] {strides = array<i32>} : memref<512xf32, #tpu.memory_space<vmem>>, vector<16xf32>,
    %get3A_56 = arith.constant 416 : index
    %get3A_57 = tpu.vector_load %arg13[%get3A_56] {strides = array<i32>} : memref<512xf32, #tpu.memory_space<vmem>>, vector<16xf32>,
    %get3A_58 = arith.constant 432 : index
    %get3A_59 = tpu.vector_load %arg13[%get3A_58] {strides = array<i32>} : memref<512xf32, #tpu.memory_space<vmem>>, vector<16xf32>,
    %get3A_60 = arith.constant 448 : index
    %get3A_61 = tpu.vector_load %arg13[%get3A_60] {strides = array<i32>} : memref<512xf32, #tpu.memory_space<vmem>>, vector<16xf32>,
    %get3A_62 = arith.constant 464 : index
    %get3A_63 = tpu.vector_load %arg13[%get3A_62] {strides = array<i32>} : memref<512xf32, #tpu.memory_space<vmem>>, vector<16xf32>,
    %get3A_64 = arith.constant 480 : index
    %get3A_65 = tpu.vector_load %arg13[%get3A_64] {strides = array<i32>} : memref<512xf32, #tpu.memory_space<vmem>>, vector<16xf32>,
    %get3A_66 = arith.constant 496 : index
    %get3A_67 = tpu.vector_load %arg13[%get3A_66] {strides = array<i32>} : memref<512xf32, #tpu.memory_space<vmem>>, vector<16xf32>,
    %iota3A = tpu.iota {dimensions = array<i32: 0>} : vector<16xi32>
    %scan3A = arith.constant 0 : i32
    %scan3A_68 = arith.constant 0 : i32
    %scan3A_69 = arith.constant 32 : i32
    %scan3A_70 = arith.addi %scan3A_68, %scan3A_69 : i32
    %scan3A_71 = arith.constant 1 : i32
    scf.for %scan3A_73 = %scan3A_68 to %scan3A_70 step %scan3A_71  : i32 {
      %mul3A_74 = arith.constant 16 : i32
      %mul3A_75 = arith.muli %scan3A_73, %mul3A_74 : i32
      %get3A_76 = arith.index_cast %mul3A_75 : i32 to index
      %get3A_77 = tpu.vector_load %arg9[%get3A_76] {strides = array<i32>} : memref<512xi32, #tpu.memory_space<vmem>>, vector<16xi32>,
      %get3A_78 = arith.index_cast %mul3A_75 : i32 to index
      %get3A_79 = tpu.vector_load %arg10[%get3A_78] {strides = array<i32>} : memref<512xi32, #tpu.memory_space<vmem>>, vector<16xi32>,
      %slice3A = vector.extract_strided_slice %get3A_77 {offsets = [0], sizes = [1], strides = [1]} : vector<16xi32> to vector<1xi32>
      %squeeze3A = vector.extract %slice3A[0] : i32 from vector<1xi32>
      %dma_start3A = arith.constant 0 : i32
      %dma_start3A_80 = arith.constant 0 : i32
      %dma_start3A_81 = tpu.memref_slice %arg11[%dma_start3A, %dma_start3A_80] : memref<16x32xf32, #tpu.memory_space<vmem>> -> memref<1x32xf32, #tpu.memory_space<vmem>>
      %dma_start3A_82 = arith.constant 0 : i32
      %dma_start3A_83 = tpu.memref_slice %arg4[%squeeze3A, %dma_start3A_82] : memref<1000000x32xf32, #tpu.memory_space<hbm>> -> memref<1x32xf32, #tpu.memory_space<hbm>>
      %dma_start3A_84 = arith.constant 0 : i32
      %dma_start3A_85 = arith.constant 0 : i32
      %dma_start3A_86 = tpu.memref_slice %arg11[%dma_start3A_84, %dma_start3A_85] : memref<16x32xf32, #tpu.memory_space<vmem>> -> memref<1x32xf32, #tpu.memory_space<vmem>>
      %dma_start3A_87 = arith.constant 0 : i32
      %dma_start3A_88 = tpu.memref_slice %arg4[%squeeze3A, %dma_start3A_87] : memref<1000000x32xf32, #tpu.memory_space<hbm>> -> memref<1x32xf32, #tpu.memory_space<hbm>>
      tpu.enqueue_dma source(%dma_start3A_88 : memref<1x32xf32, #tpu.memory_space<hbm>>) target(%dma_start3A_86 : memref<1x32xf32, #tpu.memory_space<vmem>>) target_semaphore(%arg16 : memref<!tpu.dma_semaphore, #tpu.memory_space<semaphore_mem>>)
      %slice3A_89 = vector.extract_strided_slice %get3A_79 {offsets = [0], sizes = [1], strides = [1]} : vector<16xi32> to vector<1xi32>
      %squeeze3A_90 = vector.extract %slice3A_89[0] : i32 from vector<1xi32>
      %dma_start3A_91 = arith.constant 0 : i32
      %dma_start3A_92 = arith.constant 0 : i32
      %dma_start3A_93 = tpu.memref_slice %arg12[%dma_start3A_91, %dma_start3A_92] : memref<16x32xf32, #tpu.memory_space<vmem>> -> memref<1x32xf32, #tpu.memory_space<vmem>>
      %dma_start3A_94 = arith.constant 0 : i32
      %dma_start3A_95 = tpu.memref_slice %arg5[%squeeze3A_90, %dma_start3A_94] : memref<1000000x32xf32, #tpu.memory_space<hbm>> -> memref<1x32xf32, #tpu.memory_space<hbm>>
      %dma_start3A_96 = arith.constant 0 : i32
      %dma_start3A_97 = arith.constant 0 : i32
      %dma_start3A_98 = tpu.memref_slice %arg12[%dma_start3A_96, %dma_start3A_97] : memref<16x32xf32, #tpu.memory_space<vmem>> -> memref<1x32xf32, #tpu.memory_space<vmem>>
      %dma_start3A_99 = arith.constant 0 : i32
      %dma_start3A_100 = tpu.memref_slice %arg5[%squeeze3A_90, %dma_start3A_99] : memref<1000000x32xf32, #tpu.memory_space<hbm>> -> memref<1x32xf32, #tpu.memory_space<hbm>>
      tpu.enqueue_dma source(%dma_start3A_100 : memref<1x32xf32, #tpu.memory_space<hbm>>) target(%dma_start3A_98 : memref<1x32xf32, #tpu.memory_space<vmem>>) target_semaphore(%arg17 : memref<!tpu.dma_semaphore, #tpu.memory_space<semaphore_mem>>)
      %slice3A_101 = vector.extract_strided_slice %get3A_77 {offsets = [1], sizes = [1], strides = [1]} : vector<16xi32> to vector<1xi32>
      %squeeze3A_102 = vector.extract %slice3A_101[0] : i32 from vector<1xi32>
      %dma_start3A_103 = arith.constant 1 : i32
      %dma_start3A_104 = arith.constant 0 : i32
      %dma_start3A_105 = tpu.memref_slice %arg11[%dma_start3A_103, %dma_start3A_104] : memref<16x32xf32, #tpu.memory_space<vmem>> -> memref<1x32xf32, #tpu.memory_space<vmem>>
      %dma_start3A_106 = arith.constant 0 : i32
      %dma_start3A_107 = tpu.memref_slice %arg4[%squeeze3A_102, %dma_start3A_106] : memref<1000000x32xf32, #tpu.memory_space<hbm>> -> memref<1x32xf32, #tpu.memory_space<hbm>>
      %dma_start3A_108 = arith.constant 1 : i32
      %dma_start3A_109 = arith.constant 0 : i32
      %dma_start3A_110 = tpu.memref_slice %arg11[%dma_start3A_108, %dma_start3A_109] : memref<16x32xf32, #tpu.memory_space<vmem>> -> memref<1x32xf32, #tpu.memory_space<vmem>>
      %dma_start3A_111 = arith.constant 0 : i32
      %dma_start3A_112 = tpu.memref_slice %arg4[%squeeze3A_102, %dma_start3A_111] : memref<1000000x32xf32, #tpu.memory_space<hbm>> -> memref<1x32xf32, #tpu.memory_space<hbm>>
      tpu.enqueue_dma source(%dma_start3A_112 : memref<1x32xf32, #tpu.memory_space<hbm>>) target(%dma_start3A_110 : memref<1x32xf32, #tpu.memory_space<vmem>>) target_semaphore(%arg18 : memref<!tpu.dma_semaphore, #tpu.memory_space<semaphore_mem>>)
      %slice3A_113 = vector.extract_strided_slice %get3A_79 {offsets = [1], sizes = [1], strides = [1]} : vector<16xi32> to vector<1xi32>
      %squeeze3A_114 = vector.extract %slice3A_113[0] : i32 from vector<1xi32>
      %dma_start3A_115 = arith.constant 1 : i32
      %dma_start3A_116 = arith.constant 0 : i32
      %dma_start3A_117 = tpu.memref_slice %arg12[%dma_start3A_115, %dma_start3A_116] : memref<16x32xf32, #tpu.memory_space<vmem>> -> memref<1x32xf32, #tpu.memory_space<vmem>>
      %dma_start3A_118 = arith.constant 0 : i32
      %dma_start3A_119 = tpu.memref_slice %arg5[%squeeze3A_114, %dma_start3A_118] : memref<1000000x32xf32, #tpu.memory_space<hbm>> -> memref<1x32xf32, #tpu.memory_space<hbm>>
      %dma_start3A_120 = arith.constant 1 : i32
      %dma_start3A_121 = arith.constant 0 : i32
      %dma_start3A_122 = tpu.memref_slice %arg12[%dma_start3A_120, %dma_start3A_121] : memref<16x32xf32, #tpu.memory_space<vmem>> -> memref<1x32xf32, #tpu.memory_space<vmem>>
      %dma_start3A_123 = arith.constant 0 : i32
      %dma_start3A_124 = tpu.memref_slice %arg5[%squeeze3A_114, %dma_start3A_123] : memref<1000000x32xf32, #tpu.memory_space<hbm>> -> memref<1x32xf32, #tpu.memory_space<hbm>>
      tpu.enqueue_dma source(%dma_start3A_124 : memref<1x32xf32, #tpu.memory_space<hbm>>) target(%dma_start3A_122 : memref<1x32xf32, #tpu.memory_space<vmem>>) target_semaphore(%arg19 : memref<!tpu.dma_semaphore, #tpu.memory_space<semaphore_mem>>)
      %slice3A_125 = vector.extract_strided_slice %get3A_77 {offsets = [2], sizes = [1], strides = [1]} : vector<16xi32> to vector<1xi32>
      %squeeze3A_126 = vector.extract %slice3A_125[0] : i32 from vector<1xi32>
      %dma_start3A_127 = arith.constant 2 : i32
      %dma_start3A_128 = arith.constant 0 : i32
      %dma_start3A_129 = tpu.memref_slice %arg11[%dma_start3A_127, %dma_start3A_128] : memref<16x32xf32, #tpu.memory_space<vmem>> -> memref<1x32xf32, #tpu.memory_space<vmem>>
      %dma_start3A_130 = arith.constant 0 : i32
      %dma_start3A_131 = tpu.memref_slice %arg4[%squeeze3A_126, %dma_start3A_130] : memref<1000000x32xf32, #tpu.memory_space<hbm>> -> memref<1x32xf32, #tpu.memory_space<hbm>>
      %dma_start3A_132 = arith.constant 2 : i32
      %dma_start3A_133 = arith.constant 0 : i32
      %dma_start3A_134 = tpu.memref_slice %arg11[%dma_start3A_132, %dma_start3A_133] : memref<16x32xf32, #tpu.memory_space<vmem>> -> memref<1x32xf32, #tpu.memory_space<vmem>>
      %dma_start3A_135 = arith.constant 0 : i32
      %dma_start3A_136 = tpu.memref_slice %arg4[%squeeze3A_126, %dma_start3A_135] : memref<1000000x32xf32, #tpu.memory_space<hbm>> -> memref<1x32xf32, #tpu.memory_space<hbm>>
      tpu.enqueue_dma source(%dma_start3A_136 : memref<1x32xf32, #tpu.memory_space<hbm>>) target(%dma_start3A_134 : memref<1x32xf32, #tpu.memory_space<vmem>>) target_semaphore(%arg16 : memref<!tpu.dma_semaphore, #tpu.memory_space<semaphore_mem>>)
      %slice3A_137 = vector.extract_strided_slice %get3A_79 {offsets = [2], sizes = [1], strides = [1]} : vector<16xi32> to vector<1xi32>
      %squeeze3A_138 = vector.extract %slice3A_137[0] : i32 from vector<1xi32>
      %dma_start3A_139 = arith.constant 2 : i32
      %dma_start3A_140 = arith.constant 0 : i32
      %dma_start3A_141 = tpu.memref_slice %arg12[%dma_start3A_139, %dma_start3A_140] : memref<16x32xf32, #tpu.memory_space<vmem>> -> memref<1x32xf32, #tpu.memory_space<vmem>>
      %dma_start3A_142 = arith.constant 0 : i32
      %dma_start3A_143 = tpu.memref_slice %arg5[%squeeze3A_138, %dma_start3A_142] : memref<1000000x32xf32, #tpu.memory_space<hbm>> -> memref<1x32xf32, #tpu.memory_space<hbm>>
      %dma_start3A_144 = arith.constant 2 : i32
      %dma_start3A_145 = arith.constant 0 : i32
      %dma_start3A_146 = tpu.memref_slice %arg12[%dma_start3A_144, %dma_start3A_145] : memref<16x32xf32, #tpu.memory_space<vmem>> -> memref<1x32xf32, #tpu.memory_space<vmem>>
      %dma_start3A_147 = arith.constant 0 : i32
      %dma_start3A_148 = tpu.memref_slice %arg5[%squeeze3A_138, %dma_start3A_147] : memref<1000000x32xf32, #tpu.memory_space<hbm>> -> memref<1x32xf32, #tpu.memory_space<hbm>>
      tpu.enqueue_dma source(%dma_start3A_148 : memref<1x32xf32, #tpu.memory_space<hbm>>) target(%dma_start3A_146 : memref<1x32xf32, #tpu.memory_space<vmem>>) target_semaphore(%arg17 : memref<!tpu.dma_semaphore, #tpu.memory_space<semaphore_mem>>)
      %slice3A_149 = vector.extract_strided_slice %get3A_77 {offsets = [3], sizes = [1], strides = [1]} : vector<16xi32> to vector<1xi32>
      %squeeze3A_150 = vector.extract %slice3A_149[0] : i32 from vector<1xi32>
      %dma_start3A_151 = arith.constant 3 : i32
      %dma_start3A_152 = arith.constant 0 : i32
      %dma_start3A_153 = tpu.memref_slice %arg11[%dma_start3A_151, %dma_start3A_152] : memref<16x32xf32, #tpu.memory_space<vmem>> -> memref<1x32xf32, #tpu.memory_space<vmem>>
      %dma_start3A_154 = arith.constant 0 : i32
      %dma_start3A_155 = tpu.memref_slice %arg4[%squeeze3A_150, %dma_start3A_154] : memref<1000000x32xf32, #tpu.memory_space<hbm>> -> memref<1x32xf32, #tpu.memory_space<hbm>>
      %dma_start3A_156 = arith.constant 3 : i32
      %dma_start3A_157 = arith.constant 0 : i32
      %dma_start3A_158 = tpu.memref_slice %arg11[%dma_start3A_156, %dma_start3A_157] : memref<16x32xf32, #tpu.memory_space<vmem>> -> memref<1x32xf32, #tpu.memory_space<vmem>>
      %dma_start3A_159 = arith.constant 0 : i32
      %dma_start3A_160 = tpu.memref_slice %arg4[%squeeze3A_150, %dma_start3A_159] : memref<1000000x32xf32, #tpu.memory_space<hbm>> -> memref<1x32xf32, #tpu.memory_space<hbm>>
      tpu.enqueue_dma source(%dma_start3A_160 : memref<1x32xf32, #tpu.memory_space<hbm>>) target(%dma_start3A_158 : memref<1x32xf32, #tpu.memory_space<vmem>>) target_semaphore(%arg18 : memref<!tpu.dma_semaphore, #tpu.memory_space<semaphore_mem>>)
      %slice3A_161 = vector.extract_strided_slice %get3A_79 {offsets = [3], sizes = [1], strides = [1]} : vector<16xi32> to vector<1xi32>
      %squeeze3A_162 = vector.extract %slice3A_161[0] : i32 from vector<1xi32>
      %dma_start3A_163 = arith.constant 3 : i32
      %dma_start3A_164 = arith.constant 0 : i32
      %dma_start3A_165 = tpu.memref_slice %arg12[%dma_start3A_163, %dma_start3A_164] : memref<16x32xf32, #tpu.memory_space<vmem>> -> memref<1x32xf32, #tpu.memory_space<vmem>>
      %dma_start3A_166 = arith.constant 0 : i32
      %dma_start3A_167 = tpu.memref_slice %arg5[%squeeze3A_162, %dma_start3A_166] : memref<1000000x32xf32, #tpu.memory_space<hbm>> -> memref<1x32xf32, #tpu.memory_space<hbm>>
      %dma_start3A_168 = arith.constant 3 : i32
      %dma_start3A_169 = arith.constant 0 : i32
      %dma_start3A_170 = tpu.memref_slice %arg12[%dma_start3A_168, %dma_start3A_169] : memref<16x32xf32, #tpu.memory_space<vmem>> -> memref<1x32xf32, #tpu.memory_space<vmem>>
      %dma_start3A_171 = arith.constant 0 : i32
      %dma_start3A_172 = tpu.memref_slice %arg5[%squeeze3A_162, %dma_start3A_171] : memref<1000000x32xf32, #tpu.memory_space<hbm>> -> memref<1x32xf32, #tpu.memory_space<hbm>>
      tpu.enqueue_dma source(%dma_start3A_172 : memref<1x32xf32, #tpu.memory_space<hbm>>) target(%dma_start3A_170 : memref<1x32xf32, #tpu.memory_space<vmem>>) target_semaphore(%arg19 : memref<!tpu.dma_semaphore, #tpu.memory_space<semaphore_mem>>)
      %slice3A_173 = vector.extract_strided_slice %get3A_77 {offsets = [4], sizes = [1], strides = [1]} : vector<16xi32> to vector<1xi32>
      %squeeze3A_174 = vector.extract %slice3A_173[0] : i32 from vector<1xi32>
      %dma_start3A_175 = arith.constant 4 : i32
      %dma_start3A_176 = arith.constant 0 : i32
      %dma_start3A_177 = tpu.memref_slice %arg11[%dma_start3A_175, %dma_start3A_176] : memref<16x32xf32, #tpu.memory_space<vmem>> -> memref<1x32xf32, #tpu.memory_space<vmem>>
      %dma_start3A_178 = arith.constant 0 : i32
      %dma_start3A_179 = tpu.memref_slice %arg4[%squeeze3A_174, %dma_start3A_178] : memref<1000000x32xf32, #tpu.memory_space<hbm>> -> memref<1x32xf32, #tpu.memory_space<hbm>>
      %dma_start3A_180 = arith.constant 4 : i32
      %dma_start3A_181 = arith.constant 0 : i32
      %dma_start3A_182 = tpu.memref_slice %arg11[%dma_start3A_180, %dma_start3A_181] : memref<16x32xf32, #tpu.memory_space<vmem>> -> memref<1x32xf32, #tpu.memory_space<vmem>>
      %dma_start3A_183 = arith.constant 0 : i32
      %dma_start3A_184 = tpu.memref_slice %arg4[%squeeze3A_174, %dma_start3A_183] : memref<1000000x32xf32, #tpu.memory_space<hbm>> -> memref<1x32xf32, #tpu.memory_space<hbm>>
      tpu.enqueue_dma source(%dma_start3A_184 : memref<1x32xf32, #tpu.memory_space<hbm>>) target(%dma_start3A_182 : memref<1x32xf32, #tpu.memory_space<vmem>>) target_semaphore(%arg16 : memref<!tpu.dma_semaphore, #tpu.memory_space<semaphore_mem>>)
      %slice3A_185 = vector.extract_strided_slice %get3A_79 {offsets = [4], sizes = [1], strides = [1]} : vector<16xi32> to vector<1xi32>
      %squeeze3A_186 = vector.extract %slice3A_185[0] : i32 from vector<1xi32>
      %dma_start3A_187 = arith.constant 4 : i32
      %dma_start3A_188 = arith.constant 0 : i32
      %dma_start3A_189 = tpu.memref_slice %arg12[%dma_start3A_187, %dma_start3A_188] : memref<16x32xf32, #tpu.memory_space<vmem>> -> memref<1x32xf32, #tpu.memory_space<vmem>>
      %dma_start3A_190 = arith.constant 0 : i32
      %dma_start3A_191 = tpu.memref_slice %arg5[%squeeze3A_186, %dma_start3A_190] : memref<1000000x32xf32, #tpu.memory_space<hbm>> -> memref<1x32xf32, #tpu.memory_space<hbm>>
      %dma_start3A_192 = arith.constant 4 : i32
      %dma_start3A_193 = arith.constant 0 : i32
      %dma_start3A_194 = tpu.memref_slice %arg12[%dma_start3A_192, %dma_start3A_193] : memref<16x32xf32, #tpu.memory_space<vmem>> -> memref<1x32xf32, #tpu.memory_space<vmem>>
      %dma_start3A_195 = arith.constant 0 : i32
      %dma_start3A_196 = tpu.memref_slice %arg5[%squeeze3A_186, %dma_start3A_195] : memref<1000000x32xf32, #tpu.memory_space<hbm>> -> memref<1x32xf32, #tpu.memory_space<hbm>>
      tpu.enqueue_dma source(%dma_start3A_196 : memref<1x32xf32, #tpu.memory_space<hbm>>) target(%dma_start3A_194 : memref<1x32xf32, #tpu.memory_space<vmem>>) target_semaphore(%arg17 : memref<!tpu.dma_semaphore, #tpu.memory_space<semaphore_mem>>)
      %slice3A_197 = vector.extract_strided_slice %get3A_77 {offsets = [5], sizes = [1], strides = [1]} : vector<16xi32> to vector<1xi32>
      %squeeze3A_198 = vector.extract %slice3A_197[0] : i32 from vector<1xi32>
      %dma_start3A_199 = arith.constant 5 : i32
      %dma_start3A_200 = arith.constant 0 : i32
      %dma_start3A_201 = tpu.memref_slice %arg11[%dma_start3A_199, %dma_start3A_200] : memref<16x32xf32, #tpu.memory_space<vmem>> -> memref<1x32xf32, #tpu.memory_space<vmem>>
      %dma_start3A_202 = arith.constant 0 : i32
      %dma_start3A_203 = tpu.memref_slice %arg4[%squeeze3A_198, %dma_start3A_202] : memref<1000000x32xf32, #tpu.memory_space<hbm>> -> memref<1x32xf32, #tpu.memory_space<hbm>>
      %dma_start3A_204 = arith.constant 5 : i32
      %dma_start3A_205 = arith.constant 0 : i32
      %dma_start3A_206 = tpu.memref_slice %arg11[%dma_start3A_204, %dma_start3A_205] : memref<16x32xf32, #tpu.memory_space<vmem>> -> memref<1x32xf32, #tpu.memory_space<vmem>>
      %dma_start3A_207 = arith.constant 0 : i32
      %dma_start3A_208 = tpu.memref_slice %arg4[%squeeze3A_198, %dma_start3A_207] : memref<1000000x32xf32, #tpu.memory_space<hbm>> -> memref<1x32xf32, #tpu.memory_space<hbm>>
      tpu.enqueue_dma source(%dma_start3A_208 : memref<1x32xf32, #tpu.memory_space<hbm>>) target(%dma_start3A_206 : memref<1x32xf32, #tpu.memory_space<vmem>>) target_semaphore(%arg18 : memref<!tpu.dma_semaphore, #tpu.memory_space<semaphore_mem>>)
      %slice3A_209 = vector.extract_strided_slice %get3A_79 {offsets = [5], sizes = [1], strides = [1]} : vector<16xi32> to vector<1xi32>
      %squeeze3A_210 = vector.extract %slice3A_209[0] : i32 from vector<1xi32>
      %dma_start3A_211 = arith.constant 5 : i32
      %dma_start3A_212 = arith.constant 0 : i32
      %dma_start3A_213 = tpu.memref_slice %arg12[%dma_start3A_211, %dma_start3A_212] : memref<16x32xf32, #tpu.memory_space<vmem>> -> memref<1x32xf32, #tpu.memory_space<vmem>>
      %dma_start3A_214 = arith.constant 0 : i32
      %dma_start3A_215 = tpu.memref_slice %arg5[%squeeze3A_210, %dma_start3A_214] : memref<1000000x32xf32, #tpu.memory_space<hbm>> -> memref<1x32xf32, #tpu.memory_space<hbm>>
      %dma_start3A_216 = arith.constant 5 : i32
      %dma_start3A_217 = arith.constant 0 : i32
      %dma_start3A_218 = tpu.memref_slice %arg12[%dma_start3A_216, %dma_start3A_217] : memref<16x32xf32, #tpu.memory_space<vmem>> -> memref<1x32xf32, #tpu.memory_space<vmem>>
      %dma_start3A_219 = arith.constant 0 : i32
      %dma_start3A_220 = tpu.memref_slice %arg5[%squeeze3A_210, %dma_start3A_219] : memref<1000000x32xf32, #tpu.memory_space<hbm>> -> memref<1x32xf32, #tpu.memory_space<hbm>>
      tpu.enqueue_dma source(%dma_start3A_220 : memref<1x32xf32, #tpu.memory_space<hbm>>) target(%dma_start3A_218 : memref<1x32xf32, #tpu.memory_space<vmem>>) target_semaphore(%arg19 : memref<!tpu.dma_semaphore, #tpu.memory_space<semaphore_mem>>)
      %slice3A_221 = vector.extract_strided_slice %get3A_77 {offsets = [6], sizes = [1], strides = [1]} : vector<16xi32> to vector<1xi32>
      %squeeze3A_222 = vector.extract %slice3A_221[0] : i32 from vector<1xi32>
      %dma_start3A_223 = arith.constant 6 : i32
      %dma_start3A_224 = arith.constant 0 : i32
      %dma_start3A_225 = tpu.memref_slice %arg11[%dma_start3A_223, %dma_start3A_224] : memref<16x32xf32, #tpu.memory_space<vmem>> -> memref<1x32xf32, #tpu.memory_space<vmem>>
      %dma_start3A_226 = arith.constant 0 : i32
      %dma_start3A_227 = tpu.memref_slice %arg4[%squeeze3A_222, %dma_start3A_226] : memref<1000000x32xf32, #tpu.memory_space<hbm>> -> memref<1x32xf32, #tpu.memory_space<hbm>>
      %dma_start3A_228 = arith.constant 6 : i32
      %dma_start3A_229 = arith.constant 0 : i32
      %dma_start3A_230 = tpu.memref_slice %arg11[%dma_start3A_228, %dma_start3A_229] : memref<16x32xf32, #tpu.memory_space<vmem>> -> memref<1x32xf32, #tpu.memory_space<vmem>>
      %dma_start3A_231 = arith.constant 0 : i32
      %dma_start3A_232 = tpu.memref_slice %arg4[%squeeze3A_222, %dma_start3A_231] : memref<1000000x32xf32, #tpu.memory_space<hbm>> -> memref<1x32xf32, #tpu.memory_space<hbm>>
      tpu.enqueue_dma source(%dma_start3A_232 : memref<1x32xf32, #tpu.memory_space<hbm>>) target(%dma_start3A_230 : memref<1x32xf32, #tpu.memory_space<vmem>>) target_semaphore(%arg16 : memref<!tpu.dma_semaphore, #tpu.memory_space<semaphore_mem>>)
      %slice3A_233 = vector.extract_strided_slice %get3A_79 {offsets = [6], sizes = [1], strides = [1]} : vector<16xi32> to vector<1xi32>
      %squeeze3A_234 = vector.extract %slice3A_233[0] : i32 from vector<1xi32>
      %dma_start3A_235 = arith.constant 6 : i32
      %dma_start3A_236 = arith.constant 0 : i32
      %dma_start3A_237 = tpu.memref_slice %arg12[%dma_start3A_235, %dma_start3A_236] : memref<16x32xf32, #tpu.memory_space<vmem>> -> memref<1x32xf32, #tpu.memory_space<vmem>>
      %dma_start3A_238 = arith.constant 0 : i32
      %dma_start3A_239 = tpu.memref_slice %arg5[%squeeze3A_234, %dma_start3A_238] : memref<1000000x32xf32, #tpu.memory_space<hbm>> -> memref<1x32xf32, #tpu.memory_space<hbm>>
      %dma_start3A_240 = arith.constant 6 : i32
      %dma_start3A_241 = arith.constant 0 : i32
      %dma_start3A_242 = tpu.memref_slice %arg12[%dma_start3A_240, %dma_start3A_241] : memref<16x32xf32, #tpu.memory_space<vmem>> -> memref<1x32xf32, #tpu.memory_space<vmem>>
      %dma_start3A_243 = arith.constant 0 : i32
      %dma_start3A_244 = tpu.memref_slice %arg5[%squeeze3A_234, %dma_start3A_243] : memref<1000000x32xf32, #tpu.memory_space<hbm>> -> memref<1x32xf32, #tpu.memory_space<hbm>>
      tpu.enqueue_dma source(%dma_start3A_244 : memref<1x32xf32, #tpu.memory_space<hbm>>) target(%dma_start3A_242 : memref<1x32xf32, #tpu.memory_space<vmem>>) target_semaphore(%arg17 : memref<!tpu.dma_semaphore, #tpu.memory_space<semaphore_mem>>)
      %slice3A_245 = vector.extract_strided_slice %get3A_77 {offsets = [7], sizes = [1], strides = [1]} : vector<16xi32> to vector<1xi32>
      %squeeze3A_246 = vector.extract %slice3A_245[0] : i32 from vector<1xi32>
      %dma_start3A_247 = arith.constant 7 : i32
      %dma_start3A_248 = arith.constant 0 : i32
      %dma_start3A_249 = tpu.memref_slice %arg11[%dma_start3A_247, %dma_start3A_248] : memref<16x32xf32, #tpu.memory_space<vmem>> -> memref<1x32xf32, #tpu.memory_space<vmem>>
      %dma_start3A_250 = arith.constant 0 : i32
      %dma_start3A_251 = tpu.memref_slice %arg4[%squeeze3A_246, %dma_start3A_250] : memref<1000000x32xf32, #tpu.memory_space<hbm>> -> memref<1x32xf32, #tpu.memory_space<hbm>>
      %dma_start3A_252 = arith.constant 7 : i32
      %dma_start3A_253 = arith.constant 0 : i32
      %dma_start3A_254 = tpu.memref_slice %arg11[%dma_start3A_252, %dma_start3A_253] : memref<16x32xf32, #tpu.memory_space<vmem>> -> memref<1x32xf32, #tpu.memory_space<vmem>>
      %dma_start3A_255 = arith.constant 0 : i32
      %dma_start3A_256 = tpu.memref_slice %arg4[%squeeze3A_246, %dma_start3A_255] : memref<1000000x32xf32, #tpu.memory_space<hbm>> -> memref<1x32xf32, #tpu.memory_space<hbm>>
      tpu.enqueue_dma source(%dma_start3A_256 : memref<1x32xf32, #tpu.memory_space<hbm>>) target(%dma_start3A_254 : memref<1x32xf32, #tpu.memory_space<vmem>>) target_semaphore(%arg18 : memref<!tpu.dma_semaphore, #tpu.memory_space<semaphore_mem>>)
      %slice3A_257 = vector.extract_strided_slice %get3A_79 {offsets = [7], sizes = [1], strides = [1]} : vector<16xi32> to vector<1xi32>
      %squeeze3A_258 = vector.extract %slice3A_257[0] : i32 from vector<1xi32>
      %dma_start3A_259 = arith.constant 7 : i32
      %dma_start3A_260 = arith.constant 0 : i32
      %dma_start3A_261 = tpu.memref_slice %arg12[%dma_start3A_259, %dma_start3A_260] : memref<16x32xf32, #tpu.memory_space<vmem>> -> memref<1x32xf32, #tpu.memory_space<vmem>>
      %dma_start3A_262 = arith.constant 0 : i32
      %dma_start3A_263 = tpu.memref_slice %arg5[%squeeze3A_258, %dma_start3A_262] : memref<1000000x32xf32, #tpu.memory_space<hbm>> -> memref<1x32xf32, #tpu.memory_space<hbm>>
      %dma_start3A_264 = arith.constant 7 : i32
      %dma_start3A_265 = arith.constant 0 : i32
      %dma_start3A_266 = tpu.memref_slice %arg12[%dma_start3A_264, %dma_start3A_265] : memref<16x32xf32, #tpu.memory_space<vmem>> -> memref<1x32xf32, #tpu.memory_space<vmem>>
      %dma_start3A_267 = arith.constant 0 : i32
      %dma_start3A_268 = tpu.memref_slice %arg5[%squeeze3A_258, %dma_start3A_267] : memref<1000000x32xf32, #tpu.memory_space<hbm>> -> memref<1x32xf32, #tpu.memory_space<hbm>>
      tpu.enqueue_dma source(%dma_start3A_268 : memref<1x32xf32, #tpu.memory_space<hbm>>) target(%dma_start3A_266 : memref<1x32xf32, #tpu.memory_space<vmem>>) target_semaphore(%arg19 : memref<!tpu.dma_semaphore, #tpu.memory_space<semaphore_mem>>)
      %dma_wait3A = arith.constant 0 : i32
      %dma_wait3A_269 = arith.constant 0 : i32
      %dma_wait3A_270 = tpu.memref_slice %arg11[%dma_wait3A, %dma_wait3A_269] : memref<16x32xf32, #tpu.memory_space<vmem>> -> memref<1x32xf32, #tpu.memory_space<vmem>>
      %dma_wait3A_271 = arith.constant 0 : i32
      %dma_wait3A_272 = tpu.memref_slice %arg4[%squeeze3A, %dma_wait3A_271] : memref<1000000x32xf32, #tpu.memory_space<hbm>> -> memref<1x32xf32, #tpu.memory_space<hbm>>
      %dma_wait3A_273 = arith.constant 0 : i32
      %dma_wait3A_274 = arith.constant 0 : i32
      %dma_wait3A_275 = tpu.memref_slice %arg11[%dma_wait3A_273, %dma_wait3A_274] : memref<16x32xf32, #tpu.memory_space<vmem>> -> memref<1x32xf32, #tpu.memory_space<vmem>>
      %dma_wait3A_276 = arith.constant 0 : i32
      %dma_wait3A_277 = tpu.memref_slice %arg4[%squeeze3A, %dma_wait3A_276] : memref<1000000x32xf32, #tpu.memory_space<hbm>> -> memref<1x32xf32, #tpu.memory_space<hbm>>
      tpu.wait_dma2 semaphore(%arg16 : memref<!tpu.dma_semaphore, #tpu.memory_space<semaphore_mem>>) src(%dma_wait3A_277 : memref<1x32xf32, #tpu.memory_space<hbm>>) dst(%dma_wait3A_275 : memref<1x32xf32, #tpu.memory_space<vmem>>)
      %dma_wait3A_278 = arith.constant 0 : i32
      %dma_wait3A_279 = arith.constant 0 : i32
      %dma_wait3A_280 = tpu.memref_slice %arg12[%dma_wait3A_278, %dma_wait3A_279] : memref<16x32xf32, #tpu.memory_space<vmem>> -> memref<1x32xf32, #tpu.memory_space<vmem>>
      %dma_wait3A_281 = arith.constant 0 : i32
      %dma_wait3A_282 = tpu.memref_slice %arg5[%squeeze3A_90, %dma_wait3A_281] : memref<1000000x32xf32, #tpu.memory_space<hbm>> -> memref<1x32xf32, #tpu.memory_space<hbm>>
      %dma_wait3A_283 = arith.constant 0 : i32
      %dma_wait3A_284 = arith.constant 0 : i32
      %dma_wait3A_285 = tpu.memref_slice %arg12[%dma_wait3A_283, %dma_wait3A_284] : memref<16x32xf32, #tpu.memory_space<vmem>> -> memref<1x32xf32, #tpu.memory_space<vmem>>
      %dma_wait3A_286 = arith.constant 0 : i32
      %dma_wait3A_287 = tpu.memref_slice %arg5[%squeeze3A_90, %dma_wait3A_286] : memref<1000000x32xf32, #tpu.memory_space<hbm>> -> memref<1x32xf32, #tpu.memory_space<hbm>>
      tpu.wait_dma2 semaphore(%arg17 : memref<!tpu.dma_semaphore, #tpu.memory_space<semaphore_mem>>) src(%dma_wait3A_287 : memref<1x32xf32, #tpu.memory_space<hbm>>) dst(%dma_wait3A_285 : memref<1x32xf32, #tpu.memory_space<vmem>>)
      %dma_wait3A_288 = arith.constant 1 : i32
      %dma_wait3A_289 = arith.constant 0 : i32
      %dma_wait3A_290 = tpu.memref_slice %arg11[%dma_wait3A_288, %dma_wait3A_289] : memref<16x32xf32, #tpu.memory_space<vmem>> -> memref<1x32xf32, #tpu.memory_space<vmem>>
      %dma_wait3A_291 = arith.constant 0 : i32
      %dma_wait3A_292 = tpu.memref_slice %arg4[%squeeze3A_102, %dma_wait3A_291] : memref<1000000x32xf32, #tpu.memory_space<hbm>> -> memref<1x32xf32, #tpu.memory_space<hbm>>
      %dma_wait3A_293 = arith.constant 1 : i32
      %dma_wait3A_294 = arith.constant 0 : i32
      %dma_wait3A_295 = tpu.memref_slice %arg11[%dma_wait3A_293, %dma_wait3A_294] : memref<16x32xf32, #tpu.memory_space<vmem>> -> memref<1x32xf32, #tpu.memory_space<vmem>>
      %dma_wait3A_296 = arith.constant 0 : i32
      %dma_wait3A_297 = tpu.memref_slice %arg4[%squeeze3A_102, %dma_wait3A_296] : memref<1000000x32xf32, #tpu.memory_space<hbm>> -> memref<1x32xf32, #tpu.memory_space<hbm>>
      tpu.wait_dma2 semaphore(%arg18 : memref<!tpu.dma_semaphore, #tpu.memory_space<semaphore_mem>>) src(%dma_wait3A_297 : memref<1x32xf32, #tpu.memory_space<hbm>>) dst(%dma_wait3A_295 : memref<1x32xf32, #tpu.memory_space<vmem>>)
      %dma_wait3A_298 = arith.constant 1 : i32
      %dma_wait3A_299 = arith.constant 0 : i32
      %dma_wait3A_300 = tpu.memref_slice %arg12[%dma_wait3A_298, %dma_wait3A_299] : memref<16x32xf32, #tpu.memory_space<vmem>> -> memref<1x32xf32, #tpu.memory_space<vmem>>
      %dma_wait3A_301 = arith.constant 0 : i32
      %dma_wait3A_302 = tpu.memref_slice %arg5[%squeeze3A_114, %dma_wait3A_301] : memref<1000000x32xf32, #tpu.memory_space<hbm>> -> memref<1x32xf32, #tpu.memory_space<hbm>>
      %dma_wait3A_303 = arith.constant 1 : i32
      %dma_wait3A_304 = arith.constant 0 : i32
      %dma_wait3A_305 = tpu.memref_slice %arg12[%dma_wait3A_303, %dma_wait3A_304] : memref<16x32xf32, #tpu.memory_space<vmem>> -> memref<1x32xf32, #tpu.memory_space<vmem>>
      %dma_wait3A_306 = arith.constant 0 : i32
      %dma_wait3A_307 = tpu.memref_slice %arg5[%squeeze3A_114, %dma_wait3A_306] : memref<1000000x32xf32, #tpu.memory_space<hbm>> -> memref<1x32xf32, #tpu.memory_space<hbm>>
      tpu.wait_dma2 semaphore(%arg19 : memref<!tpu.dma_semaphore, #tpu.memory_space<semaphore_mem>>) src(%dma_wait3A_307 : memref<1x32xf32, #tpu.memory_space<hbm>>) dst(%dma_wait3A_305 : memref<1x32xf32, #tpu.memory_space<vmem>>)
      %dma_wait3A_308 = arith.constant 2 : i32
      %dma_wait3A_309 = arith.constant 0 : i32
      %dma_wait3A_310 = tpu.memref_slice %arg11[%dma_wait3A_308, %dma_wait3A_309] : memref<16x32xf32, #tpu.memory_space<vmem>> -> memref<1x32xf32, #tpu.memory_space<vmem>>
      %dma_wait3A_311 = arith.constant 0 : i32
      %dma_wait3A_312 = tpu.memref_slice %arg4[%squeeze3A_126, %dma_wait3A_311] : memref<1000000x32xf32, #tpu.memory_space<hbm>> -> memref<1x32xf32, #tpu.memory_space<hbm>>
      %dma_wait3A_313 = arith.constant 2 : i32
      %dma_wait3A_314 = arith.constant 0 : i32
      %dma_wait3A_315 = tpu.memref_slice %arg11[%dma_wait3A_313, %dma_wait3A_314] : memref<16x32xf32, #tpu.memory_space<vmem>> -> memref<1x32xf32, #tpu.memory_space<vmem>>
      %dma_wait3A_316 = arith.constant 0 : i32
      %dma_wait3A_317 = tpu.memref_slice %arg4[%squeeze3A_126, %dma_wait3A_316] : memref<1000000x32xf32, #tpu.memory_space<hbm>> -> memref<1x32xf32, #tpu.memory_space<hbm>>
      tpu.wait_dma2 semaphore(%arg16 : memref<!tpu.dma_semaphore, #tpu.memory_space<semaphore_mem>>) src(%dma_wait3A_317 : memref<1x32xf32, #tpu.memory_space<hbm>>) dst(%dma_wait3A_315 : memref<1x32xf32, #tpu.memory_space<vmem>>)
      %dma_wait3A_318 = arith.constant 2 : i32
      %dma_wait3A_319 = arith.constant 0 : i32
      %dma_wait3A_320 = tpu.memref_slice %arg12[%dma_wait3A_318, %dma_wait3A_319] : memref<16x32xf32, #tpu.memory_space<vmem>> -> memref<1x32xf32, #tpu.memory_space<vmem>>
      %dma_wait3A_321 = arith.constant 0 : i32
      %dma_wait3A_322 = tpu.memref_slice %arg5[%squeeze3A_138, %dma_wait3A_321] : memref<1000000x32xf32, #tpu.memory_space<hbm>> -> memref<1x32xf32, #tpu.memory_space<hbm>>
      %dma_wait3A_323 = arith.constant 2 : i32
      %dma_wait3A_324 = arith.constant 0 : i32
      %dma_wait3A_325 = tpu.memref_slice %arg12[%dma_wait3A_323, %dma_wait3A_324] : memref<16x32xf32, #tpu.memory_space<vmem>> -> memref<1x32xf32, #tpu.memory_space<vmem>>
      %dma_wait3A_326 = arith.constant 0 : i32
      %dma_wait3A_327 = tpu.memref_slice %arg5[%squeeze3A_138, %dma_wait3A_326] : memref<1000000x32xf32, #tpu.memory_space<hbm>> -> memref<1x32xf32, #tpu.memory_space<hbm>>
      tpu.wait_dma2 semaphore(%arg17 : memref<!tpu.dma_semaphore, #tpu.memory_space<semaphore_mem>>) src(%dma_wait3A_327 : memref<1x32xf32, #tpu.memory_space<hbm>>) dst(%dma_wait3A_325 : memref<1x32xf32, #tpu.memory_space<vmem>>)
      %dma_wait3A_328 = arith.constant 3 : i32
      %dma_wait3A_329 = arith.constant 0 : i32
      %dma_wait3A_330 = tpu.memref_slice %arg11[%dma_wait3A_328, %dma_wait3A_329] : memref<16x32xf32, #tpu.memory_space<vmem>> -> memref<1x32xf32, #tpu.memory_space<vmem>>
      %dma_wait3A_331 = arith.constant 0 : i32
      %dma_wait3A_332 = tpu.memref_slice %arg4[%squeeze3A_150, %dma_wait3A_331] : memref<1000000x32xf32, #tpu.memory_space<hbm>> -> memref<1x32xf32, #tpu.memory_space<hbm>>
      %dma_wait3A_333 = arith.constant 3 : i32
      %dma_wait3A_334 = arith.constant 0 : i32
      %dma_wait3A_335 = tpu.memref_slice %arg11[%dma_wait3A_333, %dma_wait3A_334] : memref<16x32xf32, #tpu.memory_space<vmem>> -> memref<1x32xf32, #tpu.memory_space<vmem>>
      %dma_wait3A_336 = arith.constant 0 : i32
      %dma_wait3A_337 = tpu.memref_slice %arg4[%squeeze3A_150, %dma_wait3A_336] : memref<1000000x32xf32, #tpu.memory_space<hbm>> -> memref<1x32xf32, #tpu.memory_space<hbm>>
      tpu.wait_dma2 semaphore(%arg18 : memref<!tpu.dma_semaphore, #tpu.memory_space<semaphore_mem>>) src(%dma_wait3A_337 : memref<1x32xf32, #tpu.memory_space<hbm>>) dst(%dma_wait3A_335 : memref<1x32xf32, #tpu.memory_space<vmem>>)
      %dma_wait3A_338 = arith.constant 3 : i32
      %dma_wait3A_339 = arith.constant 0 : i32
      %dma_wait3A_340 = tpu.memref_slice %arg12[%dma_wait3A_338, %dma_wait3A_339] : memref<16x32xf32, #tpu.memory_space<vmem>> -> memref<1x32xf32, #tpu.memory_space<vmem>>
      %dma_wait3A_341 = arith.constant 0 : i32
      %dma_wait3A_342 = tpu.memref_slice %arg5[%squeeze3A_162, %dma_wait3A_341] : memref<1000000x32xf32, #tpu.memory_space<hbm>> -> memref<1x32xf32, #tpu.memory_space<hbm>>
      %dma_wait3A_343 = arith.constant 3 : i32
      %dma_wait3A_344 = arith.constant 0 : i32
      %dma_wait3A_345 = tpu.memref_slice %arg12[%dma_wait3A_343, %dma_wait3A_344] : memref<16x32xf32, #tpu.memory_space<vmem>> -> memref<1x32xf32, #tpu.memory_space<vmem>>
      %dma_wait3A_346 = arith.constant 0 : i32
      %dma_wait3A_347 = tpu.memref_slice %arg5[%squeeze3A_162, %dma_wait3A_346] : memref<1000000x32xf32, #tpu.memory_space<hbm>> -> memref<1x32xf32, #tpu.memory_space<hbm>>
      tpu.wait_dma2 semaphore(%arg19 : memref<!tpu.dma_semaphore, #tpu.memory_space<semaphore_mem>>) src(%dma_wait3A_347 : memref<1x32xf32, #tpu.memory_space<hbm>>) dst(%dma_wait3A_345 : memref<1x32xf32, #tpu.memory_space<vmem>>)
      %dma_wait3A_348 = arith.constant 4 : i32
      %dma_wait3A_349 = arith.constant 0 : i32
      %dma_wait3A_350 = tpu.memref_slice %arg11[%dma_wait3A_348, %dma_wait3A_349] : memref<16x32xf32, #tpu.memory_space<vmem>> -> memref<1x32xf32, #tpu.memory_space<vmem>>
      %dma_wait3A_351 = arith.constant 0 : i32
      %dma_wait3A_352 = tpu.memref_slice %arg4[%squeeze3A_174, %dma_wait3A_351] : memref<1000000x32xf32, #tpu.memory_space<hbm>> -> memref<1x32xf32, #tpu.memory_space<hbm>>
      %dma_wait3A_353 = arith.constant 4 : i32
      %dma_wait3A_354 = arith.constant 0 : i32
      %dma_wait3A_355 = tpu.memref_slice %arg11[%dma_wait3A_353, %dma_wait3A_354] : memref<16x32xf32, #tpu.memory_space<vmem>> -> memref<1x32xf32, #tpu.memory_space<vmem>>
      %dma_wait3A_356 = arith.constant 0 : i32
      %dma_wait3A_357 = tpu.memref_slice %arg4[%squeeze3A_174, %dma_wait3A_356] : memref<1000000x32xf32, #tpu.memory_space<hbm>> -> memref<1x32xf32, #tpu.memory_space<hbm>>
      tpu.wait_dma2 semaphore(%arg16 : memref<!tpu.dma_semaphore, #tpu.memory_space<semaphore_mem>>) src(%dma_wait3A_357 : memref<1x32xf32, #tpu.memory_space<hbm>>) dst(%dma_wait3A_355 : memref<1x32xf32, #tpu.memory_space<vmem>>)
      %dma_wait3A_358 = arith.constant 4 : i32
      %dma_wait3A_359 = arith.constant 0 : i32
      %dma_wait3A_360 = tpu.memref_slice %arg12[%dma_wait3A_358, %dma_wait3A_359] : memref<16x32xf32, #tpu.memory_space<vmem>> -> memref<1x32xf32, #tpu.memory_space<vmem>>
      %dma_wait3A_361 = arith.constant 0 : i32
      %dma_wait3A_362 = tpu.memref_slice %arg5[%squeeze3A_186, %dma_wait3A_361] : memref<1000000x32xf32, #tpu.memory_space<hbm>> -> memref<1x32xf32, #tpu.memory_space<hbm>>
      %dma_wait3A_363 = arith.constant 4 : i32
      %dma_wait3A_364 = arith.constant 0 : i32
      %dma_wait3A_365 = tpu.memref_slice %arg12[%dma_wait3A_363, %dma_wait3A_364] : memref<16x32xf32, #tpu.memory_space<vmem>> -> memref<1x32xf32, #tpu.memory_space<vmem>>
      %dma_wait3A_366 = arith.constant 0 : i32
      %dma_wait3A_367 = tpu.memref_slice %arg5[%squeeze3A_186, %dma_wait3A_366] : memref<1000000x32xf32, #tpu.memory_space<hbm>> -> memref<1x32xf32, #tpu.memory_space<hbm>>
      tpu.wait_dma2 semaphore(%arg17 : memref<!tpu.dma_semaphore, #tpu.memory_space<semaphore_mem>>) src(%dma_wait3A_367 : memref<1x32xf32, #tpu.memory_space<hbm>>) dst(%dma_wait3A_365 : memref<1x32xf32, #tpu.memory_space<vmem>>)
      %dma_wait3A_368 = arith.constant 5 : i32
      %dma_wait3A_369 = arith.constant 0 : i32
      %dma_wait3A_370 = tpu.memref_slice %arg11[%dma_wait3A_368, %dma_wait3A_369] : memref<16x32xf32, #tpu.memory_space<vmem>> -> memref<1x32xf32, #tpu.memory_space<vmem>>
      %dma_wait3A_371 = arith.constant 0 : i32
      %dma_wait3A_372 = tpu.memref_slice %arg4[%squeeze3A_198, %dma_wait3A_371] : memref<1000000x32xf32, #tpu.memory_space<hbm>> -> memref<1x32xf32, #tpu.memory_space<hbm>>
      %dma_wait3A_373 = arith.constant 5 : i32
      %dma_wait3A_374 = arith.constant 0 : i32
      %dma_wait3A_375 = tpu.memref_slice %arg11[%dma_wait3A_373, %dma_wait3A_374] : memref<16x32xf32, #tpu.memory_space<vmem>> -> memref<1x32xf32, #tpu.memory_space<vmem>>
      %dma_wait3A_376 = arith.constant 0 : i32
      %dma_wait3A_377 = tpu.memref_slice %arg4[%squeeze3A_198, %dma_wait3A_376] : memref<1000000x32xf32, #tpu.memory_space<hbm>> -> memref<1x32xf32, #tpu.memory_space<hbm>>
      tpu.wait_dma2 semaphore(%arg18 : memref<!tpu.dma_semaphore, #tpu.memory_space<semaphore_mem>>) src(%dma_wait3A_377 : memref<1x32xf32, #tpu.memory_space<hbm>>) dst(%dma_wait3A_375 : memref<1x32xf32, #tpu.memory_space<vmem>>)
      %dma_wait3A_378 = arith.constant 5 : i32
      %dma_wait3A_379 = arith.constant 0 : i32
      %dma_wait3A_380 = tpu.memref_slice %arg12[%dma_wait3A_378, %dma_wait3A_379] : memref<16x32xf32, #tpu.memory_space<vmem>> -> memref<1x32xf32, #tpu.memory_space<vmem>>
      %dma_wait3A_381 = arith.constant 0 : i32
      %dma_wait3A_382 = tpu.memref_slice %arg5[%squeeze3A_210, %dma_wait3A_381] : memref<1000000x32xf32, #tpu.memory_space<hbm>> -> memref<1x32xf32, #tpu.memory_space<hbm>>
      %dma_wait3A_383 = arith.constant 5 : i32
      %dma_wait3A_384 = arith.constant 0 : i32
      %dma_wait3A_385 = tpu.memref_slice %arg12[%dma_wait3A_383, %dma_wait3A_384] : memref<16x32xf32, #tpu.memory_space<vmem>> -> memref<1x32xf32, #tpu.memory_space<vmem>>
      %dma_wait3A_386 = arith.constant 0 : i32
      %dma_wait3A_387 = tpu.memref_slice %arg5[%squeeze3A_210, %dma_wait3A_386] : memref<1000000x32xf32, #tpu.memory_space<hbm>> -> memref<1x32xf32, #tpu.memory_space<hbm>>
      tpu.wait_dma2 semaphore(%arg19 : memref<!tpu.dma_semaphore, #tpu.memory_space<semaphore_mem>>) src(%dma_wait3A_387 : memref<1x32xf32, #tpu.memory_space<hbm>>) dst(%dma_wait3A_385 : memref<1x32xf32, #tpu.memory_space<vmem>>)
      %dma_wait3A_388 = arith.constant 6 : i32
      %dma_wait3A_389 = arith.constant 0 : i32
      %dma_wait3A_390 = tpu.memref_slice %arg11[%dma_wait3A_388, %dma_wait3A_389] : memref<16x32xf32, #tpu.memory_space<vmem>> -> memref<1x32xf32, #tpu.memory_space<vmem>>
      %dma_wait3A_391 = arith.constant 0 : i32
      %dma_wait3A_392 = tpu.memref_slice %arg4[%squeeze3A_222, %dma_wait3A_391] : memref<1000000x32xf32, #tpu.memory_space<hbm>> -> memref<1x32xf32, #tpu.memory_space<hbm>>
      %dma_wait3A_393 = arith.constant 6 : i32
      %dma_wait3A_394 = arith.constant 0 : i32
      %dma_wait3A_395 = tpu.memref_slice %arg11[%dma_wait3A_393, %dma_wait3A_394] : memref<16x32xf32, #tpu.memory_space<vmem>> -> memref<1x32xf32, #tpu.memory_space<vmem>>
      %dma_wait3A_396 = arith.constant 0 : i32
      %dma_wait3A_397 = tpu.memref_slice %arg4[%squeeze3A_222, %dma_wait3A_396] : memref<1000000x32xf32, #tpu.memory_space<hbm>> -> memref<1x32xf32, #tpu.memory_space<hbm>>
      tpu.wait_dma2 semaphore(%arg16 : memref<!tpu.dma_semaphore, #tpu.memory_space<semaphore_mem>>) src(%dma_wait3A_397 : memref<1x32xf32, #tpu.memory_space<hbm>>) dst(%dma_wait3A_395 : memref<1x32xf32, #tpu.memory_space<vmem>>)
      %dma_wait3A_398 = arith.constant 6 : i32
      %dma_wait3A_399 = arith.constant 0 : i32
      %dma_wait3A_400 = tpu.memref_slice %arg12[%dma_wait3A_398, %dma_wait3A_399] : memref<16x32xf32, #tpu.memory_space<vmem>> -> memref<1x32xf32, #tpu.memory_space<vmem>>
      %dma_wait3A_401 = arith.constant 0 : i32
      %dma_wait3A_402 = tpu.memref_slice %arg5[%squeeze3A_234, %dma_wait3A_401] : memref<1000000x32xf32, #tpu.memory_space<hbm>> -> memref<1x32xf32, #tpu.memory_space<hbm>>
      %dma_wait3A_403 = arith.constant 6 : i32
      %dma_wait3A_404 = arith.constant 0 : i32
      %dma_wait3A_405 = tpu.memref_slice %arg12[%dma_wait3A_403, %dma_wait3A_404] : memref<16x32xf32, #tpu.memory_space<vmem>> -> memref<1x32xf32, #tpu.memory_space<vmem>>
      %dma_wait3A_406 = arith.constant 0 : i32
      %dma_wait3A_407 = tpu.memref_slice %arg5[%squeeze3A_234, %dma_wait3A_406] : memref<1000000x32xf32, #tpu.memory_space<hbm>> -> memref<1x32xf32, #tpu.memory_space<hbm>>
      tpu.wait_dma2 semaphore(%arg17 : memref<!tpu.dma_semaphore, #tpu.memory_space<semaphore_mem>>) src(%dma_wait3A_407 : memref<1x32xf32, #tpu.memory_space<hbm>>) dst(%dma_wait3A_405 : memref<1x32xf32, #tpu.memory_space<vmem>>)
      %dma_wait3A_408 = arith.constant 7 : i32
      %dma_wait3A_409 = arith.constant 0 : i32
      %dma_wait3A_410 = tpu.memref_slice %arg11[%dma_wait3A_408, %dma_wait3A_409] : memref<16x32xf32, #tpu.memory_space<vmem>> -> memref<1x32xf32, #tpu.memory_space<vmem>>
      %dma_wait3A_411 = arith.constant 0 : i32
      %dma_wait3A_412 = tpu.memref_slice %arg4[%squeeze3A_246, %dma_wait3A_411] : memref<1000000x32xf32, #tpu.memory_space<hbm>> -> memref<1x32xf32, #tpu.memory_space<hbm>>
      %dma_wait3A_413 = arith.constant 7 : i32
      %dma_wait3A_414 = arith.constant 0 : i32
      %dma_wait3A_415 = tpu.memref_slice %arg11[%dma_wait3A_413, %dma_wait3A_414] : memref<16x32xf32, #tpu.memory_space<vmem>> -> memref<1x32xf32, #tpu.memory_space<vmem>>
      %dma_wait3A_416 = arith.constant 0 : i32
      %dma_wait3A_417 = tpu.memref_slice %arg4[%squeeze3A_246, %dma_wait3A_416] : memref<1000000x32xf32, #tpu.memory_space<hbm>> -> memref<1x32xf32, #tpu.memory_space<hbm>>
      tpu.wait_dma2 semaphore(%arg18 : memref<!tpu.dma_semaphore, #tpu.memory_space<semaphore_mem>>) src(%dma_wait3A_417 : memref<1x32xf32, #tpu.memory_space<hbm>>) dst(%dma_wait3A_415 : memref<1x32xf32, #tpu.memory_space<vmem>>)
      %dma_wait3A_418 = arith.constant 7 : i32
      %dma_wait3A_419 = arith.constant 0 : i32
      %dma_wait3A_420 = tpu.memref_slice %arg12[%dma_wait3A_418, %dma_wait3A_419] : memref<16x32xf32, #tpu.memory_space<vmem>> -> memref<1x32xf32, #tpu.memory_space<vmem>>
      %dma_wait3A_421 = arith.constant 0 : i32
      %dma_wait3A_422 = tpu.memref_slice %arg5[%squeeze3A_258, %dma_wait3A_421] : memref<1000000x32xf32, #tpu.memory_space<hbm>> -> memref<1x32xf32, #tpu.memory_space<hbm>>
      %dma_wait3A_423 = arith.constant 7 : i32
      %dma_wait3A_424 = arith.constant 0 : i32
      %dma_wait3A_425 = tpu.memref_slice %arg12[%dma_wait3A_423, %dma_wait3A_424] : memref<16x32xf32, #tpu.memory_space<vmem>> -> memref<1x32xf32, #tpu.memory_space<vmem>>
      %dma_wait3A_426 = arith.constant 0 : i32
      %dma_wait3A_427 = tpu.memref_slice %arg5[%squeeze3A_258, %dma_wait3A_426] : memref<1000000x32xf32, #tpu.memory_space<hbm>> -> memref<1x32xf32, #tpu.memory_space<hbm>>
      tpu.wait_dma2 semaphore(%arg19 : memref<!tpu.dma_semaphore, #tpu.memory_space<semaphore_mem>>) src(%dma_wait3A_427 : memref<1x32xf32, #tpu.memory_space<hbm>>) dst(%dma_wait3A_425 : memref<1x32xf32, #tpu.memory_space<vmem>>)
      %slice3A_428 = vector.extract_strided_slice %get3A_77 {offsets = [8], sizes = [1], strides = [1]} : vector<16xi32> to vector<1xi32>
      %squeeze3A_429 = vector.extract %slice3A_428[0] : i32 from vector<1xi32>
      %dma_start3A_430 = arith.constant 8 : i32
      %dma_start3A_431 = arith.constant 0 : i32
      %dma_start3A_432 = tpu.memref_slice %arg11[%dma_start3A_430, %dma_start3A_431] : memref<16x32xf32, #tpu.memory_space<vmem>> -> memref<1x32xf32, #tpu.memory_space<vmem>>
      %dma_start3A_433 = arith.constant 0 : i32
      %dma_start3A_434 = tpu.memref_slice %arg4[%squeeze3A_429, %dma_start3A_433] : memref<1000000x32xf32, #tpu.memory_space<hbm>> -> memref<1x32xf32, #tpu.memory_space<hbm>>
      %dma_start3A_435 = arith.constant 8 : i32
      %dma_start3A_436 = arith.constant 0 : i32
      %dma_start3A_437 = tpu.memref_slice %arg11[%dma_start3A_435, %dma_start3A_436] : memref<16x32xf32, #tpu.memory_space<vmem>> -> memref<1x32xf32, #tpu.memory_space<vmem>>
      %dma_start3A_438 = arith.constant 0 : i32
      %dma_start3A_439 = tpu.memref_slice %arg4[%squeeze3A_429, %dma_start3A_438] : memref<1000000x32xf32, #tpu.memory_space<hbm>> -> memref<1x32xf32, #tpu.memory_space<hbm>>
      tpu.enqueue_dma source(%dma_start3A_439 : memref<1x32xf32, #tpu.memory_space<hbm>>) target(%dma_start3A_437 : memref<1x32xf32, #tpu.memory_space<vmem>>) target_semaphore(%arg16 : memref<!tpu.dma_semaphore, #tpu.memory_space<semaphore_mem>>)
      %slice3A_440 = vector.extract_strided_slice %get3A_79 {offsets = [8], sizes = [1], strides = [1]} : vector<16xi32> to vector<1xi32>
      %squeeze3A_441 = vector.extract %slice3A_440[0] : i32 from vector<1xi32>
      %dma_start3A_442 = arith.constant 8 : i32
      %dma_start3A_443 = arith.constant 0 : i32
      %dma_start3A_444 = tpu.memref_slice %arg12[%dma_start3A_442, %dma_start3A_443] : memref<16x32xf32, #tpu.memory_space<vmem>> -> memref<1x32xf32, #tpu.memory_space<vmem>>
      %dma_start3A_445 = arith.constant 0 : i32
      %dma_start3A_446 = tpu.memref_slice %arg5[%squeeze3A_441, %dma_start3A_445] : memref<1000000x32xf32, #tpu.memory_space<hbm>> -> memref<1x32xf32, #tpu.memory_space<hbm>>
      %dma_start3A_447 = arith.constant 8 : i32
      %dma_start3A_448 = arith.constant 0 : i32
      %dma_start3A_449 = tpu.memref_slice %arg12[%dma_start3A_447, %dma_start3A_448] : memref<16x32xf32, #tpu.memory_space<vmem>> -> memref<1x32xf32, #tpu.memory_space<vmem>>
      %dma_start3A_450 = arith.constant 0 : i32
      %dma_start3A_451 = tpu.memref_slice %arg5[%squeeze3A_441, %dma_start3A_450] : memref<1000000x32xf32, #tpu.memory_space<hbm>> -> memref<1x32xf32, #tpu.memory_space<hbm>>
      tpu.enqueue_dma source(%dma_start3A_451 : memref<1x32xf32, #tpu.memory_space<hbm>>) target(%dma_start3A_449 : memref<1x32xf32, #tpu.memory_space<vmem>>) target_semaphore(%arg17 : memref<!tpu.dma_semaphore, #tpu.memory_space<semaphore_mem>>)
      %slice3A_452 = vector.extract_strided_slice %get3A_77 {offsets = [9], sizes = [1], strides = [1]} : vector<16xi32> to vector<1xi32>
      %squeeze3A_453 = vector.extract %slice3A_452[0] : i32 from vector<1xi32>
      %dma_start3A_454 = arith.constant 9 : i32
      %dma_start3A_455 = arith.constant 0 : i32
      %dma_start3A_456 = tpu.memref_slice %arg11[%dma_start3A_454, %dma_start3A_455] : memref<16x32xf32, #tpu.memory_space<vmem>> -> memref<1x32xf32, #tpu.memory_space<vmem>>
      %dma_start3A_457 = arith.constant 0 : i32
      %dma_start3A_458 = tpu.memref_slice %arg4[%squeeze3A_453, %dma_start3A_457] : memref<1000000x32xf32, #tpu.memory_space<hbm>> -> memref<1x32xf32, #tpu.memory_space<hbm>>
      %dma_start3A_459 = arith.constant 9 : i32
      %dma_start3A_460 = arith.constant 0 : i32
      %dma_start3A_461 = tpu.memref_slice %arg11[%dma_start3A_459, %dma_start3A_460] : memref<16x32xf32, #tpu.memory_space<vmem>> -> memref<1x32xf32, #tpu.memory_space<vmem>>
      %dma_start3A_462 = arith.constant 0 : i32
      %dma_start3A_463 = tpu.memref_slice %arg4[%squeeze3A_453, %dma_start3A_462] : memref<1000000x32xf32, #tpu.memory_space<hbm>> -> memref<1x32xf32, #tpu.memory_space<hbm>>
      tpu.enqueue_dma source(%dma_start3A_463 : memref<1x32xf32, #tpu.memory_space<hbm>>) target(%dma_start3A_461 : memref<1x32xf32, #tpu.memory_space<vmem>>) target_semaphore(%arg18 : memref<!tpu.dma_semaphore, #tpu.memory_space<semaphore_mem>>)
      %slice3A_464 = vector.extract_strided_slice %get3A_79 {offsets = [9], sizes = [1], strides = [1]} : vector<16xi32> to vector<1xi32>
      %squeeze3A_465 = vector.extract %slice3A_464[0] : i32 from vector<1xi32>
      %dma_start3A_466 = arith.constant 9 : i32
      %dma_start3A_467 = arith.constant 0 : i32
      %dma_start3A_468 = tpu.memref_slice %arg12[%dma_start3A_466, %dma_start3A_467] : memref<16x32xf32, #tpu.memory_space<vmem>> -> memref<1x32xf32, #tpu.memory_space<vmem>>
      %dma_start3A_469 = arith.constant 0 : i32
      %dma_start3A_470 = tpu.memref_slice %arg5[%squeeze3A_465, %dma_start3A_469] : memref<1000000x32xf32, #tpu.memory_space<hbm>> -> memref<1x32xf32, #tpu.memory_space<hbm>>
      %dma_start3A_471 = arith.constant 9 : i32
      %dma_start3A_472 = arith.constant 0 : i32
      %dma_start3A_473 = tpu.memref_slice %arg12[%dma_start3A_471, %dma_start3A_472] : memref<16x32xf32, #tpu.memory_space<vmem>> -> memref<1x32xf32, #tpu.memory_space<vmem>>
      %dma_start3A_474 = arith.constant 0 : i32
      %dma_start3A_475 = tpu.memref_slice %arg5[%squeeze3A_465, %dma_start3A_474] : memref<1000000x32xf32, #tpu.memory_space<hbm>> -> memref<1x32xf32, #tpu.memory_space<hbm>>
      tpu.enqueue_dma source(%dma_start3A_475 : memref<1x32xf32, #tpu.memory_space<hbm>>) target(%dma_start3A_473 : memref<1x32xf32, #tpu.memory_space<vmem>>) target_semaphore(%arg19 : memref<!tpu.dma_semaphore, #tpu.memory_space<semaphore_mem>>)
      %slice3A_476 = vector.extract_strided_slice %get3A_77 {offsets = [10], sizes = [1], strides = [1]} : vector<16xi32> to vector<1xi32>
      %squeeze3A_477 = vector.extract %slice3A_476[0] : i32 from vector<1xi32>
      %dma_start3A_478 = arith.constant 10 : i32
      %dma_start3A_479 = arith.constant 0 : i32
      %dma_start3A_480 = tpu.memref_slice %arg11[%dma_start3A_478, %dma_start3A_479] : memref<16x32xf32, #tpu.memory_space<vmem>> -> memref<1x32xf32, #tpu.memory_space<vmem>>
      %dma_start3A_481 = arith.constant 0 : i32
      %dma_start3A_482 = tpu.memref_slice %arg4[%squeeze3A_477, %dma_start3A_481] : memref<1000000x32xf32, #tpu.memory_space<hbm>> -> memref<1x32xf32, #tpu.memory_space<hbm>>
      %dma_start3A_483 = arith.constant 10 : i32
      %dma_start3A_484 = arith.constant 0 : i32
      %dma_start3A_485 = tpu.memref_slice %arg11[%dma_start3A_483, %dma_start3A_484] : memref<16x32xf32, #tpu.memory_space<vmem>> -> memref<1x32xf32, #tpu.memory_space<vmem>>
      %dma_start3A_486 = arith.constant 0 : i32
      %dma_start3A_487 = tpu.memref_slice %arg4[%squeeze3A_477, %dma_start3A_486] : memref<1000000x32xf32, #tpu.memory_space<hbm>> -> memref<1x32xf32, #tpu.memory_space<hbm>>
      tpu.enqueue_dma source(%dma_start3A_487 : memref<1x32xf32, #tpu.memory_space<hbm>>) target(%dma_start3A_485 : memref<1x32xf32, #tpu.memory_space<vmem>>) target_semaphore(%arg16 : memref<!tpu.dma_semaphore, #tpu.memory_space<semaphore_mem>>)
      %slice3A_488 = vector.extract_strided_slice %get3A_79 {offsets = [10], sizes = [1], strides = [1]} : vector<16xi32> to vector<1xi32>
      %squeeze3A_489 = vector.extract %slice3A_488[0] : i32 from vector<1xi32>
      %dma_start3A_490 = arith.constant 10 : i32
      %dma_start3A_491 = arith.constant 0 : i32
      %dma_start3A_492 = tpu.memref_slice %arg12[%dma_start3A_490, %dma_start3A_491] : memref<16x32xf32, #tpu.memory_space<vmem>> -> memref<1x32xf32, #tpu.memory_space<vmem>>
      %dma_start3A_493 = arith.constant 0 : i32
      %dma_start3A_494 = tpu.memref_slice %arg5[%squeeze3A_489, %dma_start3A_493] : memref<1000000x32xf32, #tpu.memory_space<hbm>> -> memref<1x32xf32, #tpu.memory_space<hbm>>
      %dma_start3A_495 = arith.constant 10 : i32
      %dma_start3A_496 = arith.constant 0 : i32
      %dma_start3A_497 = tpu.memref_slice %arg12[%dma_start3A_495, %dma_start3A_496] : memref<16x32xf32, #tpu.memory_space<vmem>> -> memref<1x32xf32, #tpu.memory_space<vmem>>
      %dma_start3A_498 = arith.constant 0 : i32
      %dma_start3A_499 = tpu.memref_slice %arg5[%squeeze3A_489, %dma_start3A_498] : memref<1000000x32xf32, #tpu.memory_space<hbm>> -> memref<1x32xf32, #tpu.memory_space<hbm>>
      tpu.enqueue_dma source(%dma_start3A_499 : memref<1x32xf32, #tpu.memory_space<hbm>>) target(%dma_start3A_497 : memref<1x32xf32, #tpu.memory_space<vmem>>) target_semaphore(%arg17 : memref<!tpu.dma_semaphore, #tpu.memory_space<semaphore_mem>>)
      %slice3A_500 = vector.extract_strided_slice %get3A_77 {offsets = [11], sizes = [1], strides = [1]} : vector<16xi32> to vector<1xi32>
      %squeeze3A_501 = vector.extract %slice3A_500[0] : i32 from vector<1xi32>
      %dma_start3A_502 = arith.constant 11 : i32
      %dma_start3A_503 = arith.constant 0 : i32
      %dma_start3A_504 = tpu.memref_slice %arg11[%dma_start3A_502, %dma_start3A_503] : memref<16x32xf32, #tpu.memory_space<vmem>> -> memref<1x32xf32, #tpu.memory_space<vmem>>
      %dma_start3A_505 = arith.constant 0 : i32
      %dma_start3A_506 = tpu.memref_slice %arg4[%squeeze3A_501, %dma_start3A_505] : memref<1000000x32xf32, #tpu.memory_space<hbm>> -> memref<1x32xf32, #tpu.memory_space<hbm>>
      %dma_start3A_507 = arith.constant 11 : i32
      %dma_start3A_508 = arith.constant 0 : i32
      %dma_start3A_509 = tpu.memref_slice %arg11[%dma_start3A_507, %dma_start3A_508] : memref<16x32xf32, #tpu.memory_space<vmem>> -> memref<1x32xf32, #tpu.memory_space<vmem>>
      %dma_start3A_510 = arith.constant 0 : i32
      %dma_start3A_511 = tpu.memref_slice %arg4[%squeeze3A_501, %dma_start3A_510] : memref<1000000x32xf32, #tpu.memory_space<hbm>> -> memref<1x32xf32, #tpu.memory_space<hbm>>
      tpu.enqueue_dma source(%dma_start3A_511 : memref<1x32xf32, #tpu.memory_space<hbm>>) target(%dma_start3A_509 : memref<1x32xf32, #tpu.memory_space<vmem>>) target_semaphore(%arg18 : memref<!tpu.dma_semaphore, #tpu.memory_space<semaphore_mem>>)
      %slice3A_512 = vector.extract_strided_slice %get3A_79 {offsets = [11], sizes = [1], strides = [1]} : vector<16xi32> to vector<1xi32>
      %squeeze3A_513 = vector.extract %slice3A_512[0] : i32 from vector<1xi32>
      %dma_start3A_514 = arith.constant 11 : i32
      %dma_start3A_515 = arith.constant 0 : i32
      %dma_start3A_516 = tpu.memref_slice %arg12[%dma_start3A_514, %dma_start3A_515] : memref<16x32xf32, #tpu.memory_space<vmem>> -> memref<1x32xf32, #tpu.memory_space<vmem>>
      %dma_start3A_517 = arith.constant 0 : i32
      %dma_start3A_518 = tpu.memref_slice %arg5[%squeeze3A_513, %dma_start3A_517] : memref<1000000x32xf32, #tpu.memory_space<hbm>> -> memref<1x32xf32, #tpu.memory_space<hbm>>
      %dma_start3A_519 = arith.constant 11 : i32
      %dma_start3A_520 = arith.constant 0 : i32
      %dma_start3A_521 = tpu.memref_slice %arg12[%dma_start3A_519, %dma_start3A_520] : memref<16x32xf32, #tpu.memory_space<vmem>> -> memref<1x32xf32, #tpu.memory_space<vmem>>
      %dma_start3A_522 = arith.constant 0 : i32
      %dma_start3A_523 = tpu.memref_slice %arg5[%squeeze3A_513, %dma_start3A_522] : memref<1000000x32xf32, #tpu.memory_space<hbm>> -> memref<1x32xf32, #tpu.memory_space<hbm>>
      tpu.enqueue_dma source(%dma_start3A_523 : memref<1x32xf32, #tpu.memory_space<hbm>>) target(%dma_start3A_521 : memref<1x32xf32, #tpu.memory_space<vmem>>) target_semaphore(%arg19 : memref<!tpu.dma_semaphore, #tpu.memory_space<semaphore_mem>>)
      %slice3A_524 = vector.extract_strided_slice %get3A_77 {offsets = [12], sizes = [1], strides = [1]} : vector<16xi32> to vector<1xi32>
      %squeeze3A_525 = vector.extract %slice3A_524[0] : i32 from vector<1xi32>
      %dma_start3A_526 = arith.constant 12 : i32
      %dma_start3A_527 = arith.constant 0 : i32
      %dma_start3A_528 = tpu.memref_slice %arg11[%dma_start3A_526, %dma_start3A_527] : memref<16x32xf32, #tpu.memory_space<vmem>> -> memref<1x32xf32, #tpu.memory_space<vmem>>
      %dma_start3A_529 = arith.constant 0 : i32
      %dma_start3A_530 = tpu.memref_slice %arg4[%squeeze3A_525, %dma_start3A_529] : memref<1000000x32xf32, #tpu.memory_space<hbm>> -> memref<1x32xf32, #tpu.memory_space<hbm>>
      %dma_start3A_531 = arith.constant 12 : i32
      %dma_start3A_532 = arith.constant 0 : i32
      %dma_start3A_533 = tpu.memref_slice %arg11[%dma_start3A_531, %dma_start3A_532] : memref<16x32xf32, #tpu.memory_space<vmem>> -> memref<1x32xf32, #tpu.memory_space<vmem>>
      %dma_start3A_534 = arith.constant 0 : i32
      %dma_start3A_535 = tpu.memref_slice %arg4[%squeeze3A_525, %dma_start3A_534] : memref<1000000x32xf32, #tpu.memory_space<hbm>> -> memref<1x32xf32, #tpu.memory_space<hbm>>
      tpu.enqueue_dma source(%dma_start3A_535 : memref<1x32xf32, #tpu.memory_space<hbm>>) target(%dma_start3A_533 : memref<1x32xf32, #tpu.memory_space<vmem>>) target_semaphore(%arg16 : memref<!tpu.dma_semaphore, #tpu.memory_space<semaphore_mem>>)
      %slice3A_536 = vector.extract_strided_slice %get3A_79 {offsets = [12], sizes = [1], strides = [1]} : vector<16xi32> to vector<1xi32>
      %squeeze3A_537 = vector.extract %slice3A_536[0] : i32 from vector<1xi32>
      %dma_start3A_538 = arith.constant 12 : i32
      %dma_start3A_539 = arith.constant 0 : i32
      %dma_start3A_540 = tpu.memref_slice %arg12[%dma_start3A_538, %dma_start3A_539] : memref<16x32xf32, #tpu.memory_space<vmem>> -> memref<1x32xf32, #tpu.memory_space<vmem>>
      %dma_start3A_541 = arith.constant 0 : i32
      %dma_start3A_542 = tpu.memref_slice %arg5[%squeeze3A_537, %dma_start3A_541] : memref<1000000x32xf32, #tpu.memory_space<hbm>> -> memref<1x32xf32, #tpu.memory_space<hbm>>
      %dma_start3A_543 = arith.constant 12 : i32
      %dma_start3A_544 = arith.constant 0 : i32
      %dma_start3A_545 = tpu.memref_slice %arg12[%dma_start3A_543, %dma_start3A_544] : memref<16x32xf32, #tpu.memory_space<vmem>> -> memref<1x32xf32, #tpu.memory_space<vmem>>
      %dma_start3A_546 = arith.constant 0 : i32
      %dma_start3A_547 = tpu.memref_slice %arg5[%squeeze3A_537, %dma_start3A_546] : memref<1000000x32xf32, #tpu.memory_space<hbm>> -> memref<1x32xf32, #tpu.memory_space<hbm>>
      tpu.enqueue_dma source(%dma_start3A_547 : memref<1x32xf32, #tpu.memory_space<hbm>>) target(%dma_start3A_545 : memref<1x32xf32, #tpu.memory_space<vmem>>) target_semaphore(%arg17 : memref<!tpu.dma_semaphore, #tpu.memory_space<semaphore_mem>>)
      %slice3A_548 = vector.extract_strided_slice %get3A_77 {offsets = [13], sizes = [1], strides = [1]} : vector<16xi32> to vector<1xi32>
      %squeeze3A_549 = vector.extract %slice3A_548[0] : i32 from vector<1xi32>
      %dma_start3A_550 = arith.constant 13 : i32
      %dma_start3A_551 = arith.constant 0 : i32
      %dma_start3A_552 = tpu.memref_slice %arg11[%dma_start3A_550, %dma_start3A_551] : memref<16x32xf32, #tpu.memory_space<vmem>> -> memref<1x32xf32, #tpu.memory_space<vmem>>
      %dma_start3A_553 = arith.constant 0 : i32
      %dma_start3A_554 = tpu.memref_slice %arg4[%squeeze3A_549, %dma_start3A_553] : memref<1000000x32xf32, #tpu.memory_space<hbm>> -> memref<1x32xf32, #tpu.memory_space<hbm>>
      %dma_start3A_555 = arith.constant 13 : i32
      %dma_start3A_556 = arith.constant 0 : i32
      %dma_start3A_557 = tpu.memref_slice %arg11[%dma_start3A_555, %dma_start3A_556] : memref<16x32xf32, #tpu.memory_space<vmem>> -> memref<1x32xf32, #tpu.memory_space<vmem>>
      %dma_start3A_558 = arith.constant 0 : i32
      %dma_start3A_559 = tpu.memref_slice %arg4[%squeeze3A_549, %dma_start3A_558] : memref<1000000x32xf32, #tpu.memory_space<hbm>> -> memref<1x32xf32, #tpu.memory_space<hbm>>
      tpu.enqueue_dma source(%dma_start3A_559 : memref<1x32xf32, #tpu.memory_space<hbm>>) target(%dma_start3A_557 : memref<1x32xf32, #tpu.memory_space<vmem>>) target_semaphore(%arg18 : memref<!tpu.dma_semaphore, #tpu.memory_space<semaphore_mem>>)
      %slice3A_560 = vector.extract_strided_slice %get3A_79 {offsets = [13], sizes = [1], strides = [1]} : vector<16xi32> to vector<1xi32>
      %squeeze3A_561 = vector.extract %slice3A_560[0] : i32 from vector<1xi32>
      %dma_start3A_562 = arith.constant 13 : i32
      %dma_start3A_563 = arith.constant 0 : i32
      %dma_start3A_564 = tpu.memref_slice %arg12[%dma_start3A_562, %dma_start3A_563] : memref<16x32xf32, #tpu.memory_space<vmem>> -> memref<1x32xf32, #tpu.memory_space<vmem>>
      %dma_start3A_565 = arith.constant 0 : i32
      %dma_start3A_566 = tpu.memref_slice %arg5[%squeeze3A_561, %dma_start3A_565] : memref<1000000x32xf32, #tpu.memory_space<hbm>> -> memref<1x32xf32, #tpu.memory_space<hbm>>
      %dma_start3A_567 = arith.constant 13 : i32
      %dma_start3A_568 = arith.constant 0 : i32
      %dma_start3A_569 = tpu.memref_slice %arg12[%dma_start3A_567, %dma_start3A_568] : memref<16x32xf32, #tpu.memory_space<vmem>> -> memref<1x32xf32, #tpu.memory_space<vmem>>
      %dma_start3A_570 = arith.constant 0 : i32
      %dma_start3A_571 = tpu.memref_slice %arg5[%squeeze3A_561, %dma_start3A_570] : memref<1000000x32xf32, #tpu.memory_space<hbm>> -> memref<1x32xf32, #tpu.memory_space<hbm>>
      tpu.enqueue_dma source(%dma_start3A_571 : memref<1x32xf32, #tpu.memory_space<hbm>>) target(%dma_start3A_569 : memref<1x32xf32, #tpu.memory_space<vmem>>) target_semaphore(%arg19 : memref<!tpu.dma_semaphore, #tpu.memory_space<semaphore_mem>>)
      %slice3A_572 = vector.extract_strided_slice %get3A_77 {offsets = [14], sizes = [1], strides = [1]} : vector<16xi32> to vector<1xi32>
      %squeeze3A_573 = vector.extract %slice3A_572[0] : i32 from vector<1xi32>
      %dma_start3A_574 = arith.constant 14 : i32
      %dma_start3A_575 = arith.constant 0 : i32
      %dma_start3A_576 = tpu.memref_slice %arg11[%dma_start3A_574, %dma_start3A_575] : memref<16x32xf32, #tpu.memory_space<vmem>> -> memref<1x32xf32, #tpu.memory_space<vmem>>
      %dma_start3A_577 = arith.constant 0 : i32
      %dma_start3A_578 = tpu.memref_slice %arg4[%squeeze3A_573, %dma_start3A_577] : memref<1000000x32xf32, #tpu.memory_space<hbm>> -> memref<1x32xf32, #tpu.memory_space<hbm>>
      %dma_start3A_579 = arith.constant 14 : i32
      %dma_start3A_580 = arith.constant 0 : i32
      %dma_start3A_581 = tpu.memref_slice %arg11[%dma_start3A_579, %dma_start3A_580] : memref<16x32xf32, #tpu.memory_space<vmem>> -> memref<1x32xf32, #tpu.memory_space<vmem>>
      %dma_start3A_582 = arith.constant 0 : i32
      %dma_start3A_583 = tpu.memref_slice %arg4[%squeeze3A_573, %dma_start3A_582] : memref<1000000x32xf32, #tpu.memory_space<hbm>> -> memref<1x32xf32, #tpu.memory_space<hbm>>
      tpu.enqueue_dma source(%dma_start3A_583 : memref<1x32xf32, #tpu.memory_space<hbm>>) target(%dma_start3A_581 : memref<1x32xf32, #tpu.memory_space<vmem>>) target_semaphore(%arg16 : memref<!tpu.dma_semaphore, #tpu.memory_space<semaphore_mem>>)
      %slice3A_584 = vector.extract_strided_slice %get3A_79 {offsets = [14], sizes = [1], strides = [1]} : vector<16xi32> to vector<1xi32>
      %squeeze3A_585 = vector.extract %slice3A_584[0] : i32 from vector<1xi32>
      %dma_start3A_586 = arith.constant 14 : i32
      %dma_start3A_587 = arith.constant 0 : i32
      %dma_start3A_588 = tpu.memref_slice %arg12[%dma_start3A_586, %dma_start3A_587] : memref<16x32xf32, #tpu.memory_space<vmem>> -> memref<1x32xf32, #tpu.memory_space<vmem>>
      %dma_start3A_589 = arith.constant 0 : i32
      %dma_start3A_590 = tpu.memref_slice %arg5[%squeeze3A_585, %dma_start3A_589] : memref<1000000x32xf32, #tpu.memory_space<hbm>> -> memref<1x32xf32, #tpu.memory_space<hbm>>
      %dma_start3A_591 = arith.constant 14 : i32
      %dma_start3A_592 = arith.constant 0 : i32
      %dma_start3A_593 = tpu.memref_slice %arg12[%dma_start3A_591, %dma_start3A_592] : memref<16x32xf32, #tpu.memory_space<vmem>> -> memref<1x32xf32, #tpu.memory_space<vmem>>
      %dma_start3A_594 = arith.constant 0 : i32
      %dma_start3A_595 = tpu.memref_slice %arg5[%squeeze3A_585, %dma_start3A_594] : memref<1000000x32xf32, #tpu.memory_space<hbm>> -> memref<1x32xf32, #tpu.memory_space<hbm>>
      tpu.enqueue_dma source(%dma_start3A_595 : memref<1x32xf32, #tpu.memory_space<hbm>>) target(%dma_start3A_593 : memref<1x32xf32, #tpu.memory_space<vmem>>) target_semaphore(%arg17 : memref<!tpu.dma_semaphore, #tpu.memory_space<semaphore_mem>>)
      %slice3A_596 = vector.extract_strided_slice %get3A_77 {offsets = [15], sizes = [1], strides = [1]} : vector<16xi32> to vector<1xi32>
      %squeeze3A_597 = vector.extract %slice3A_596[0] : i32 from vector<1xi32>
      %dma_start3A_598 = arith.constant 15 : i32
      %dma_start3A_599 = arith.constant 0 : i32
      %dma_start3A_600 = tpu.memref_slice %arg11[%dma_start3A_598, %dma_start3A_599] : memref<16x32xf32, #tpu.memory_space<vmem>> -> memref<1x32xf32, #tpu.memory_space<vmem>>
      %dma_start3A_601 = arith.constant 0 : i32
      %dma_start3A_602 = tpu.memref_slice %arg4[%squeeze3A_597, %dma_start3A_601] : memref<1000000x32xf32, #tpu.memory_space<hbm>> -> memref<1x32xf32, #tpu.memory_space<hbm>>
      %dma_start3A_603 = arith.constant 15 : i32
      %dma_start3A_604 = arith.constant 0 : i32
      %dma_start3A_605 = tpu.memref_slice %arg11[%dma_start3A_603, %dma_start3A_604] : memref<16x32xf32, #tpu.memory_space<vmem>> -> memref<1x32xf32, #tpu.memory_space<vmem>>
      %dma_start3A_606 = arith.constant 0 : i32
      %dma_start3A_607 = tpu.memref_slice %arg4[%squeeze3A_597, %dma_start3A_606] : memref<1000000x32xf32, #tpu.memory_space<hbm>> -> memref<1x32xf32, #tpu.memory_space<hbm>>
      tpu.enqueue_dma source(%dma_start3A_607 : memref<1x32xf32, #tpu.memory_space<hbm>>) target(%dma_start3A_605 : memref<1x32xf32, #tpu.memory_space<vmem>>) target_semaphore(%arg18 : memref<!tpu.dma_semaphore, #tpu.memory_space<semaphore_mem>>)
      %slice3A_608 = vector.extract_strided_slice %get3A_79 {offsets = [15], sizes = [1], strides = [1]} : vector<16xi32> to vector<1xi32>
      %squeeze3A_609 = vector.extract %slice3A_608[0] : i32 from vector<1xi32>
      %dma_start3A_610 = arith.constant 15 : i32
      %dma_start3A_611 = arith.constant 0 : i32
      %dma_start3A_612 = tpu.memref_slice %arg12[%dma_start3A_610, %dma_start3A_611] : memref<16x32xf32, #tpu.memory_space<vmem>> -> memref<1x32xf32, #tpu.memory_space<vmem>>
      %dma_start3A_613 = arith.constant 0 : i32
      %dma_start3A_614 = tpu.memref_slice %arg5[%squeeze3A_609, %dma_start3A_613] : memref<1000000x32xf32, #tpu.memory_space<hbm>> -> memref<1x32xf32, #tpu.memory_space<hbm>>
      %dma_start3A_615 = arith.constant 15 : i32
      %dma_start3A_616 = arith.constant 0 : i32
      %dma_start3A_617 = tpu.memref_slice %arg12[%dma_start3A_615, %dma_start3A_616] : memref<16x32xf32, #tpu.memory_space<vmem>> -> memref<1x32xf32, #tpu.memory_space<vmem>>
      %dma_start3A_618 = arith.constant 0 : i32
      %dma_start3A_619 = tpu.memref_slice %arg5[%squeeze3A_609, %dma_start3A_618] : memref<1000000x32xf32, #tpu.memory_space<hbm>> -> memref<1x32xf32, #tpu.memory_space<hbm>>
      tpu.enqueue_dma source(%dma_start3A_619 : memref<1x32xf32, #tpu.memory_space<hbm>>) target(%dma_start3A_617 : memref<1x32xf32, #tpu.memory_space<vmem>>) target_semaphore(%arg19 : memref<!tpu.dma_semaphore, #tpu.memory_space<semaphore_mem>>)
      %dma_wait3A_620 = arith.constant 8 : i32
      %dma_wait3A_621 = arith.constant 0 : i32
      %dma_wait3A_622 = tpu.memref_slice %arg11[%dma_wait3A_620, %dma_wait3A_621] : memref<16x32xf32, #tpu.memory_space<vmem>> -> memref<1x32xf32, #tpu.memory_space<vmem>>
      %dma_wait3A_623 = arith.constant 0 : i32
      %dma_wait3A_624 = tpu.memref_slice %arg4[%squeeze3A_429, %dma_wait3A_623] : memref<1000000x32xf32, #tpu.memory_space<hbm>> -> memref<1x32xf32, #tpu.memory_space<hbm>>
      %dma_wait3A_625 = arith.constant 8 : i32
      %dma_wait3A_626 = arith.constant 0 : i32
      %dma_wait3A_627 = tpu.memref_slice %arg11[%dma_wait3A_625, %dma_wait3A_626] : memref<16x32xf32, #tpu.memory_space<vmem>> -> memref<1x32xf32, #tpu.memory_space<vmem>>
      %dma_wait3A_628 = arith.constant 0 : i32
      %dma_wait3A_629 = tpu.memref_slice %arg4[%squeeze3A_429, %dma_wait3A_628] : memref<1000000x32xf32, #tpu.memory_space<hbm>> -> memref<1x32xf32, #tpu.memory_space<hbm>>
      tpu.wait_dma2 semaphore(%arg16 : memref<!tpu.dma_semaphore, #tpu.memory_space<semaphore_mem>>) src(%dma_wait3A_629 : memref<1x32xf32, #tpu.memory_space<hbm>>) dst(%dma_wait3A_627 : memref<1x32xf32, #tpu.memory_space<vmem>>)
      %dma_wait3A_630 = arith.constant 8 : i32
      %dma_wait3A_631 = arith.constant 0 : i32
      %dma_wait3A_632 = tpu.memref_slice %arg12[%dma_wait3A_630, %dma_wait3A_631] : memref<16x32xf32, #tpu.memory_space<vmem>> -> memref<1x32xf32, #tpu.memory_space<vmem>>
      %dma_wait3A_633 = arith.constant 0 : i32
      %dma_wait3A_634 = tpu.memref_slice %arg5[%squeeze3A_441, %dma_wait3A_633] : memref<1000000x32xf32, #tpu.memory_space<hbm>> -> memref<1x32xf32, #tpu.memory_space<hbm>>
      %dma_wait3A_635 = arith.constant 8 : i32
      %dma_wait3A_636 = arith.constant 0 : i32
      %dma_wait3A_637 = tpu.memref_slice %arg12[%dma_wait3A_635, %dma_wait3A_636] : memref<16x32xf32, #tpu.memory_space<vmem>> -> memref<1x32xf32, #tpu.memory_space<vmem>>
      %dma_wait3A_638 = arith.constant 0 : i32
      %dma_wait3A_639 = tpu.memref_slice %arg5[%squeeze3A_441, %dma_wait3A_638] : memref<1000000x32xf32, #tpu.memory_space<hbm>> -> memref<1x32xf32, #tpu.memory_space<hbm>>
      tpu.wait_dma2 semaphore(%arg17 : memref<!tpu.dma_semaphore, #tpu.memory_space<semaphore_mem>>) src(%dma_wait3A_639 : memref<1x32xf32, #tpu.memory_space<hbm>>) dst(%dma_wait3A_637 : memref<1x32xf32, #tpu.memory_space<vmem>>)
      %dma_wait3A_640 = arith.constant 9 : i32
      %dma_wait3A_641 = arith.constant 0 : i32
      %dma_wait3A_642 = tpu.memref_slice %arg11[%dma_wait3A_640, %dma_wait3A_641] : memref<16x32xf32, #tpu.memory_space<vmem>> -> memref<1x32xf32, #tpu.memory_space<vmem>>
      %dma_wait3A_643 = arith.constant 0 : i32
      %dma_wait3A_644 = tpu.memref_slice %arg4[%squeeze3A_453, %dma_wait3A_643] : memref<1000000x32xf32, #tpu.memory_space<hbm>> -> memref<1x32xf32, #tpu.memory_space<hbm>>
      %dma_wait3A_645 = arith.constant 9 : i32
      %dma_wait3A_646 = arith.constant 0 : i32
      %dma_wait3A_647 = tpu.memref_slice %arg11[%dma_wait3A_645, %dma_wait3A_646] : memref<16x32xf32, #tpu.memory_space<vmem>> -> memref<1x32xf32, #tpu.memory_space<vmem>>
      %dma_wait3A_648 = arith.constant 0 : i32
      %dma_wait3A_649 = tpu.memref_slice %arg4[%squeeze3A_453, %dma_wait3A_648] : memref<1000000x32xf32, #tpu.memory_space<hbm>> -> memref<1x32xf32, #tpu.memory_space<hbm>>
      tpu.wait_dma2 semaphore(%arg18 : memref<!tpu.dma_semaphore, #tpu.memory_space<semaphore_mem>>) src(%dma_wait3A_649 : memref<1x32xf32, #tpu.memory_space<hbm>>) dst(%dma_wait3A_647 : memref<1x32xf32, #tpu.memory_space<vmem>>)
      %dma_wait3A_650 = arith.constant 9 : i32
      %dma_wait3A_651 = arith.constant 0 : i32
      %dma_wait3A_652 = tpu.memref_slice %arg12[%dma_wait3A_650, %dma_wait3A_651] : memref<16x32xf32, #tpu.memory_space<vmem>> -> memref<1x32xf32, #tpu.memory_space<vmem>>
      %dma_wait3A_653 = arith.constant 0 : i32
      %dma_wait3A_654 = tpu.memref_slice %arg5[%squeeze3A_465, %dma_wait3A_653] : memref<1000000x32xf32, #tpu.memory_space<hbm>> -> memref<1x32xf32, #tpu.memory_space<hbm>>
      %dma_wait3A_655 = arith.constant 9 : i32
      %dma_wait3A_656 = arith.constant 0 : i32
      %dma_wait3A_657 = tpu.memref_slice %arg12[%dma_wait3A_655, %dma_wait3A_656] : memref<16x32xf32, #tpu.memory_space<vmem>> -> memref<1x32xf32, #tpu.memory_space<vmem>>
      %dma_wait3A_658 = arith.constant 0 : i32
      %dma_wait3A_659 = tpu.memref_slice %arg5[%squeeze3A_465, %dma_wait3A_658] : memref<1000000x32xf32, #tpu.memory_space<hbm>> -> memref<1x32xf32, #tpu.memory_space<hbm>>
      tpu.wait_dma2 semaphore(%arg19 : memref<!tpu.dma_semaphore, #tpu.memory_space<semaphore_mem>>) src(%dma_wait3A_659 : memref<1x32xf32, #tpu.memory_space<hbm>>) dst(%dma_wait3A_657 : memref<1x32xf32, #tpu.memory_space<vmem>>)
      %dma_wait3A_660 = arith.constant 10 : i32
      %dma_wait3A_661 = arith.constant 0 : i32
      %dma_wait3A_662 = tpu.memref_slice %arg11[%dma_wait3A_660, %dma_wait3A_661] : memref<16x32xf32, #tpu.memory_space<vmem>> -> memref<1x32xf32, #tpu.memory_space<vmem>>
      %dma_wait3A_663 = arith.constant 0 : i32
      %dma_wait3A_664 = tpu.memref_slice %arg4[%squeeze3A_477, %dma_wait3A_663] : memref<1000000x32xf32, #tpu.memory_space<hbm>> -> memref<1x32xf32, #tpu.memory_space<hbm>>
      %dma_wait3A_665 = arith.constant 10 : i32
      %dma_wait3A_666 = arith.constant 0 : i32
      %dma_wait3A_667 = tpu.memref_slice %arg11[%dma_wait3A_665, %dma_wait3A_666] : memref<16x32xf32, #tpu.memory_space<vmem>> -> memref<1x32xf32, #tpu.memory_space<vmem>>
      %dma_wait3A_668 = arith.constant 0 : i32
      %dma_wait3A_669 = tpu.memref_slice %arg4[%squeeze3A_477, %dma_wait3A_668] : memref<1000000x32xf32, #tpu.memory_space<hbm>> -> memref<1x32xf32, #tpu.memory_space<hbm>>
      tpu.wait_dma2 semaphore(%arg16 : memref<!tpu.dma_semaphore, #tpu.memory_space<semaphore_mem>>) src(%dma_wait3A_669 : memref<1x32xf32, #tpu.memory_space<hbm>>) dst(%dma_wait3A_667 : memref<1x32xf32, #tpu.memory_space<vmem>>)
      %dma_wait3A_670 = arith.constant 10 : i32
      %dma_wait3A_671 = arith.constant 0 : i32
      %dma_wait3A_672 = tpu.memref_slice %arg12[%dma_wait3A_670, %dma_wait3A_671] : memref<16x32xf32, #tpu.memory_space<vmem>> -> memref<1x32xf32, #tpu.memory_space<vmem>>
      %dma_wait3A_673 = arith.constant 0 : i32
      %dma_wait3A_674 = tpu.memref_slice %arg5[%squeeze3A_489, %dma_wait3A_673] : memref<1000000x32xf32, #tpu.memory_space<hbm>> -> memref<1x32xf32, #tpu.memory_space<hbm>>
      %dma_wait3A_675 = arith.constant 10 : i32
      %dma_wait3A_676 = arith.constant 0 : i32
      %dma_wait3A_677 = tpu.memref_slice %arg12[%dma_wait3A_675, %dma_wait3A_676] : memref<16x32xf32, #tpu.memory_space<vmem>> -> memref<1x32xf32, #tpu.memory_space<vmem>>
      %dma_wait3A_678 = arith.constant 0 : i32
      %dma_wait3A_679 = tpu.memref_slice %arg5[%squeeze3A_489, %dma_wait3A_678] : memref<1000000x32xf32, #tpu.memory_space<hbm>> -> memref<1x32xf32, #tpu.memory_space<hbm>>
      tpu.wait_dma2 semaphore(%arg17 : memref<!tpu.dma_semaphore, #tpu.memory_space<semaphore_mem>>) src(%dma_wait3A_679 : memref<1x32xf32, #tpu.memory_space<hbm>>) dst(%dma_wait3A_677 : memref<1x32xf32, #tpu.memory_space<vmem>>)
      %dma_wait3A_680 = arith.constant 11 : i32
      %dma_wait3A_681 = arith.constant 0 : i32
      %dma_wait3A_682 = tpu.memref_slice %arg11[%dma_wait3A_680, %dma_wait3A_681] : memref<16x32xf32, #tpu.memory_space<vmem>> -> memref<1x32xf32, #tpu.memory_space<vmem>>
      %dma_wait3A_683 = arith.constant 0 : i32
      %dma_wait3A_684 = tpu.memref_slice %arg4[%squeeze3A_501, %dma_wait3A_683] : memref<1000000x32xf32, #tpu.memory_space<hbm>> -> memref<1x32xf32, #tpu.memory_space<hbm>>
      %dma_wait3A_685 = arith.constant 11 : i32
      %dma_wait3A_686 = arith.constant 0 : i32
      %dma_wait3A_687 = tpu.memref_slice %arg11[%dma_wait3A_685, %dma_wait3A_686] : memref<16x32xf32, #tpu.memory_space<vmem>> -> memref<1x32xf32, #tpu.memory_space<vmem>>
      %dma_wait3A_688 = arith.constant 0 : i32
      %dma_wait3A_689 = tpu.memref_slice %arg4[%squeeze3A_501, %dma_wait3A_688] : memref<1000000x32xf32, #tpu.memory_space<hbm>> -> memref<1x32xf32, #tpu.memory_space<hbm>>
      tpu.wait_dma2 semaphore(%arg18 : memref<!tpu.dma_semaphore, #tpu.memory_space<semaphore_mem>>) src(%dma_wait3A_689 : memref<1x32xf32, #tpu.memory_space<hbm>>) dst(%dma_wait3A_687 : memref<1x32xf32, #tpu.memory_space<vmem>>)
      %dma_wait3A_690 = arith.constant 11 : i32
      %dma_wait3A_691 = arith.constant 0 : i32
      %dma_wait3A_692 = tpu.memref_slice %arg12[%dma_wait3A_690, %dma_wait3A_691] : memref<16x32xf32, #tpu.memory_space<vmem>> -> memref<1x32xf32, #tpu.memory_space<vmem>>
      %dma_wait3A_693 = arith.constant 0 : i32
      %dma_wait3A_694 = tpu.memref_slice %arg5[%squeeze3A_513, %dma_wait3A_693] : memref<1000000x32xf32, #tpu.memory_space<hbm>> -> memref<1x32xf32, #tpu.memory_space<hbm>>
      %dma_wait3A_695 = arith.constant 11 : i32
      %dma_wait3A_696 = arith.constant 0 : i32
      %dma_wait3A_697 = tpu.memref_slice %arg12[%dma_wait3A_695, %dma_wait3A_696] : memref<16x32xf32, #tpu.memory_space<vmem>> -> memref<1x32xf32, #tpu.memory_space<vmem>>
      %dma_wait3A_698 = arith.constant 0 : i32
      %dma_wait3A_699 = tpu.memref_slice %arg5[%squeeze3A_513, %dma_wait3A_698] : memref<1000000x32xf32, #tpu.memory_space<hbm>> -> memref<1x32xf32, #tpu.memory_space<hbm>>
      tpu.wait_dma2 semaphore(%arg19 : memref<!tpu.dma_semaphore, #tpu.memory_space<semaphore_mem>>) src(%dma_wait3A_699 : memref<1x32xf32, #tpu.memory_space<hbm>>) dst(%dma_wait3A_697 : memref<1x32xf32, #tpu.memory_space<vmem>>)
      %dma_wait3A_700 = arith.constant 12 : i32
      %dma_wait3A_701 = arith.constant 0 : i32
      %dma_wait3A_702 = tpu.memref_slice %arg11[%dma_wait3A_700, %dma_wait3A_701] : memref<16x32xf32, #tpu.memory_space<vmem>> -> memref<1x32xf32, #tpu.memory_space<vmem>>
      %dma_wait3A_703 = arith.constant 0 : i32
      %dma_wait3A_704 = tpu.memref_slice %arg4[%squeeze3A_525, %dma_wait3A_703] : memref<1000000x32xf32, #tpu.memory_space<hbm>> -> memref<1x32xf32, #tpu.memory_space<hbm>>
      %dma_wait3A_705 = arith.constant 12 : i32
      %dma_wait3A_706 = arith.constant 0 : i32
      %dma_wait3A_707 = tpu.memref_slice %arg11[%dma_wait3A_705, %dma_wait3A_706] : memref<16x32xf32, #tpu.memory_space<vmem>> -> memref<1x32xf32, #tpu.memory_space<vmem>>
      %dma_wait3A_708 = arith.constant 0 : i32
      %dma_wait3A_709 = tpu.memref_slice %arg4[%squeeze3A_525, %dma_wait3A_708] : memref<1000000x32xf32, #tpu.memory_space<hbm>> -> memref<1x32xf32, #tpu.memory_space<hbm>>
      tpu.wait_dma2 semaphore(%arg16 : memref<!tpu.dma_semaphore, #tpu.memory_space<semaphore_mem>>) src(%dma_wait3A_709 : memref<1x32xf32, #tpu.memory_space<hbm>>) dst(%dma_wait3A_707 : memref<1x32xf32, #tpu.memory_space<vmem>>)
      %dma_wait3A_710 = arith.constant 12 : i32
      %dma_wait3A_711 = arith.constant 0 : i32
      %dma_wait3A_712 = tpu.memref_slice %arg12[%dma_wait3A_710, %dma_wait3A_711] : memref<16x32xf32, #tpu.memory_space<vmem>> -> memref<1x32xf32, #tpu.memory_space<vmem>>
      %dma_wait3A_713 = arith.constant 0 : i32
      %dma_wait3A_714 = tpu.memref_slice %arg5[%squeeze3A_537, %dma_wait3A_713] : memref<1000000x32xf32, #tpu.memory_space<hbm>> -> memref<1x32xf32, #tpu.memory_space<hbm>>
      %dma_wait3A_715 = arith.constant 12 : i32
      %dma_wait3A_716 = arith.constant 0 : i32
      %dma_wait3A_717 = tpu.memref_slice %arg12[%dma_wait3A_715, %dma_wait3A_716] : memref<16x32xf32, #tpu.memory_space<vmem>> -> memref<1x32xf32, #tpu.memory_space<vmem>>
      %dma_wait3A_718 = arith.constant 0 : i32
      %dma_wait3A_719 = tpu.memref_slice %arg5[%squeeze3A_537, %dma_wait3A_718] : memref<1000000x32xf32, #tpu.memory_space<hbm>> -> memref<1x32xf32, #tpu.memory_space<hbm>>
      tpu.wait_dma2 semaphore(%arg17 : memref<!tpu.dma_semaphore, #tpu.memory_space<semaphore_mem>>) src(%dma_wait3A_719 : memref<1x32xf32, #tpu.memory_space<hbm>>) dst(%dma_wait3A_717 : memref<1x32xf32, #tpu.memory_space<vmem>>)
      %dma_wait3A_720 = arith.constant 13 : i32
      %dma_wait3A_721 = arith.constant 0 : i32
      %dma_wait3A_722 = tpu.memref_slice %arg11[%dma_wait3A_720, %dma_wait3A_721] : memref<16x32xf32, #tpu.memory_space<vmem>> -> memref<1x32xf32, #tpu.memory_space<vmem>>
      %dma_wait3A_723 = arith.constant 0 : i32
      %dma_wait3A_724 = tpu.memref_slice %arg4[%squeeze3A_549, %dma_wait3A_723] : memref<1000000x32xf32, #tpu.memory_space<hbm>> -> memref<1x32xf32, #tpu.memory_space<hbm>>
      %dma_wait3A_725 = arith.constant 13 : i32
      %dma_wait3A_726 = arith.constant 0 : i32
      %dma_wait3A_727 = tpu.memref_slice %arg11[%dma_wait3A_725, %dma_wait3A_726] : memref<16x32xf32, #tpu.memory_space<vmem>> -> memref<1x32xf32, #tpu.memory_space<vmem>>
      %dma_wait3A_728 = arith.constant 0 : i32
      %dma_wait3A_729 = tpu.memref_slice %arg4[%squeeze3A_549, %dma_wait3A_728] : memref<1000000x32xf32, #tpu.memory_space<hbm>> -> memref<1x32xf32, #tpu.memory_space<hbm>>
      tpu.wait_dma2 semaphore(%arg18 : memref<!tpu.dma_semaphore, #tpu.memory_space<semaphore_mem>>) src(%dma_wait3A_729 : memref<1x32xf32, #tpu.memory_space<hbm>>) dst(%dma_wait3A_727 : memref<1x32xf32, #tpu.memory_space<vmem>>)
      %dma_wait3A_730 = arith.constant 13 : i32
      %dma_wait3A_731 = arith.constant 0 : i32
      %dma_wait3A_732 = tpu.memref_slice %arg12[%dma_wait3A_730, %dma_wait3A_731] : memref<16x32xf32, #tpu.memory_space<vmem>> -> memref<1x32xf32, #tpu.memory_space<vmem>>
      %dma_wait3A_733 = arith.constant 0 : i32
      %dma_wait3A_734 = tpu.memref_slice %arg5[%squeeze3A_561, %dma_wait3A_733] : memref<1000000x32xf32, #tpu.memory_space<hbm>> -> memref<1x32xf32, #tpu.memory_space<hbm>>
      %dma_wait3A_735 = arith.constant 13 : i32
      %dma_wait3A_736 = arith.constant 0 : i32
      %dma_wait3A_737 = tpu.memref_slice %arg12[%dma_wait3A_735, %dma_wait3A_736] : memref<16x32xf32, #tpu.memory_space<vmem>> -> memref<1x32xf32, #tpu.memory_space<vmem>>
      %dma_wait3A_738 = arith.constant 0 : i32
      %dma_wait3A_739 = tpu.memref_slice %arg5[%squeeze3A_561, %dma_wait3A_738] : memref<1000000x32xf32, #tpu.memory_space<hbm>> -> memref<1x32xf32, #tpu.memory_space<hbm>>
      tpu.wait_dma2 semaphore(%arg19 : memref<!tpu.dma_semaphore, #tpu.memory_space<semaphore_mem>>) src(%dma_wait3A_739 : memref<1x32xf32, #tpu.memory_space<hbm>>) dst(%dma_wait3A_737 : memref<1x32xf32, #tpu.memory_space<vmem>>)
      %dma_wait3A_740 = arith.constant 14 : i32
      %dma_wait3A_741 = arith.constant 0 : i32
      %dma_wait3A_742 = tpu.memref_slice %arg11[%dma_wait3A_740, %dma_wait3A_741] : memref<16x32xf32, #tpu.memory_space<vmem>> -> memref<1x32xf32, #tpu.memory_space<vmem>>
      %dma_wait3A_743 = arith.constant 0 : i32
      %dma_wait3A_744 = tpu.memref_slice %arg4[%squeeze3A_573, %dma_wait3A_743] : memref<1000000x32xf32, #tpu.memory_space<hbm>> -> memref<1x32xf32, #tpu.memory_space<hbm>>
      %dma_wait3A_745 = arith.constant 14 : i32
      %dma_wait3A_746 = arith.constant 0 : i32
      %dma_wait3A_747 = tpu.memref_slice %arg11[%dma_wait3A_745, %dma_wait3A_746] : memref<16x32xf32, #tpu.memory_space<vmem>> -> memref<1x32xf32, #tpu.memory_space<vmem>>
      %dma_wait3A_748 = arith.constant 0 : i32
      %dma_wait3A_749 = tpu.memref_slice %arg4[%squeeze3A_573, %dma_wait3A_748] : memref<1000000x32xf32, #tpu.memory_space<hbm>> -> memref<1x32xf32, #tpu.memory_space<hbm>>
      tpu.wait_dma2 semaphore(%arg16 : memref<!tpu.dma_semaphore, #tpu.memory_space<semaphore_mem>>) src(%dma_wait3A_749 : memref<1x32xf32, #tpu.memory_space<hbm>>) dst(%dma_wait3A_747 : memref<1x32xf32, #tpu.memory_space<vmem>>)
      %dma_wait3A_750 = arith.constant 14 : i32
      %dma_wait3A_751 = arith.constant 0 : i32
      %dma_wait3A_752 = tpu.memref_slice %arg12[%dma_wait3A_750, %dma_wait3A_751] : memref<16x32xf32, #tpu.memory_space<vmem>> -> memref<1x32xf32, #tpu.memory_space<vmem>>
      %dma_wait3A_753 = arith.constant 0 : i32
      %dma_wait3A_754 = tpu.memref_slice %arg5[%squeeze3A_585, %dma_wait3A_753] : memref<1000000x32xf32, #tpu.memory_space<hbm>> -> memref<1x32xf32, #tpu.memory_space<hbm>>
      %dma_wait3A_755 = arith.constant 14 : i32
      %dma_wait3A_756 = arith.constant 0 : i32
      %dma_wait3A_757 = tpu.memref_slice %arg12[%dma_wait3A_755, %dma_wait3A_756] : memref<16x32xf32, #tpu.memory_space<vmem>> -> memref<1x32xf32, #tpu.memory_space<vmem>>
      %dma_wait3A_758 = arith.constant 0 : i32
      %dma_wait3A_759 = tpu.memref_slice %arg5[%squeeze3A_585, %dma_wait3A_758] : memref<1000000x32xf32, #tpu.memory_space<hbm>> -> memref<1x32xf32, #tpu.memory_space<hbm>>
      tpu.wait_dma2 semaphore(%arg17 : memref<!tpu.dma_semaphore, #tpu.memory_space<semaphore_mem>>) src(%dma_wait3A_759 : memref<1x32xf32, #tpu.memory_space<hbm>>) dst(%dma_wait3A_757 : memref<1x32xf32, #tpu.memory_space<vmem>>)
      %dma_wait3A_760 = arith.constant 15 : i32
      %dma_wait3A_761 = arith.constant 0 : i32
      %dma_wait3A_762 = tpu.memref_slice %arg11[%dma_wait3A_760, %dma_wait3A_761] : memref<16x32xf32, #tpu.memory_space<vmem>> -> memref<1x32xf32, #tpu.memory_space<vmem>>
      %dma_wait3A_763 = arith.constant 0 : i32
      %dma_wait3A_764 = tpu.memref_slice %arg4[%squeeze3A_597, %dma_wait3A_763] : memref<1000000x32xf32, #tpu.memory_space<hbm>> -> memref<1x32xf32, #tpu.memory_space<hbm>>
      %dma_wait3A_765 = arith.constant 15 : i32
      %dma_wait3A_766 = arith.constant 0 : i32
      %dma_wait3A_767 = tpu.memref_slice %arg11[%dma_wait3A_765, %dma_wait3A_766] : memref<16x32xf32, #tpu.memory_space<vmem>> -> memref<1x32xf32, #tpu.memory_space<vmem>>
      %dma_wait3A_768 = arith.constant 0 : i32
      %dma_wait3A_769 = tpu.memref_slice %arg4[%squeeze3A_597, %dma_wait3A_768] : memref<1000000x32xf32, #tpu.memory_space<hbm>> -> memref<1x32xf32, #tpu.memory_space<hbm>>
      tpu.wait_dma2 semaphore(%arg18 : memref<!tpu.dma_semaphore, #tpu.memory_space<semaphore_mem>>) src(%dma_wait3A_769 : memref<1x32xf32, #tpu.memory_space<hbm>>) dst(%dma_wait3A_767 : memref<1x32xf32, #tpu.memory_space<vmem>>)
      %dma_wait3A_770 = arith.constant 15 : i32
      %dma_wait3A_771 = arith.constant 0 : i32
      %dma_wait3A_772 = tpu.memref_slice %arg12[%dma_wait3A_770, %dma_wait3A_771] : memref<16x32xf32, #tpu.memory_space<vmem>> -> memref<1x32xf32, #tpu.memory_space<vmem>>
      %dma_wait3A_773 = arith.constant 0 : i32
      %dma_wait3A_774 = tpu.memref_slice %arg5[%squeeze3A_609, %dma_wait3A_773] : memref<1000000x32xf32, #tpu.memory_space<hbm>> -> memref<1x32xf32, #tpu.memory_space<hbm>>
      %dma_wait3A_775 = arith.constant 15 : i32
      %dma_wait3A_776 = arith.constant 0 : i32
      %dma_wait3A_777 = tpu.memref_slice %arg12[%dma_wait3A_775, %dma_wait3A_776] : memref<16x32xf32, #tpu.memory_space<vmem>> -> memref<1x32xf32, #tpu.memory_space<vmem>>
      %dma_wait3A_778 = arith.constant 0 : i32
      %dma_wait3A_779 = tpu.memref_slice %arg5[%squeeze3A_609, %dma_wait3A_778] : memref<1000000x32xf32, #tpu.memory_space<hbm>> -> memref<1x32xf32, #tpu.memory_space<hbm>>
      tpu.wait_dma2 semaphore(%arg19 : memref<!tpu.dma_semaphore, #tpu.memory_space<semaphore_mem>>) src(%dma_wait3A_779 : memref<1x32xf32, #tpu.memory_space<hbm>>) dst(%dma_wait3A_777 : memref<1x32xf32, #tpu.memory_space<vmem>>)
      %broadcast_in_dim3A = arith.constant 0 : i32
      %broadcast_in_dim3A_780 = vector.broadcast %broadcast_in_dim3A : i32 to vector<16xi32>
      %gather3A = tpu.vector_load_idx %arg11[%iota3A, %broadcast_in_dim3A_780] : memref<16x32xf32, #tpu.memory_space<vmem>>[vector<16xi32>, vector<16xi32>], vector<16xf32>,
      %gather3A_781 = tpu.vector_load_idx %arg12[%iota3A, %broadcast_in_dim3A_780] : memref<16x32xf32, #tpu.memory_space<vmem>>[vector<16xi32>, vector<16xi32>], vector<16xf32>,
      %mul3A_782 = arith.mulf %gather3A, %gather3A_781 : vector<16xf32>
      %mul3A_783 = arith.mulf %mul3A_782, %get3A_5 : vector<16xf32>
      %add3A_784 = arith.addf %get3A_3, %mul3A_783 : vector<16xf32>
      %broadcast_in_dim3A_785 = arith.constant 1 : i32
      %broadcast_in_dim3A_786 = vector.broadcast %broadcast_in_dim3A_785 : i32 to vector<16xi32>
      %gather3A_787 = tpu.vector_load_idx %arg11[%iota3A, %broadcast_in_dim3A_786] : memref<16x32xf32, #tpu.memory_space<vmem>>[vector<16xi32>, vector<16xi32>], vector<16xf32>,
      %gather3A_788 = tpu.vector_load_idx %arg12[%iota3A, %broadcast_in_dim3A_786] : memref<16x32xf32, #tpu.memory_space<vmem>>[vector<16xi32>, vector<16xi32>], vector<16xf32>,
      %mul3A_789 = arith.mulf %gather3A_787, %gather3A_788 : vector<16xf32>
      %mul3A_790 = arith.mulf %mul3A_789, %get3A_7 : vector<16xf32>
      %add3A_791 = arith.addf %add3A_784, %mul3A_790 : vector<16xf32>
      %broadcast_in_dim3A_792 = arith.constant 2 : i32
      %broadcast_in_dim3A_793 = vector.broadcast %broadcast_in_dim3A_792 : i32 to vector<16xi32>
      %gather3A_794 = tpu.vector_load_idx %arg11[%iota3A, %broadcast_in_dim3A_793] : memref<16x32xf32, #tpu.memory_space<vmem>>[vector<16xi32>, vector<16xi32>], vector<16xf32>,
      %gather3A_795 = tpu.vector_load_idx %arg12[%iota3A, %broadcast_in_dim3A_793] : memref<16x32xf32, #tpu.memory_space<vmem>>[vector<16xi32>, vector<16xi32>], vector<16xf32>,
      %mul3A_796 = arith.mulf %gather3A_794, %gather3A_795 : vector<16xf32>
      %mul3A_797 = arith.mulf %mul3A_796, %get3A_9 : vector<16xf32>
      %add3A_798 = arith.addf %add3A_791, %mul3A_797 : vector<16xf32>
      %broadcast_in_dim3A_799 = arith.constant 3 : i32
      %broadcast_in_dim3A_800 = vector.broadcast %broadcast_in_dim3A_799 : i32 to vector<16xi32>
      %gather3A_801 = tpu.vector_load_idx %arg11[%iota3A, %broadcast_in_dim3A_800] : memref<16x32xf32, #tpu.memory_space<vmem>>[vector<16xi32>, vector<16xi32>], vector<16xf32>,
      %gather3A_802 = tpu.vector_load_idx %arg12[%iota3A, %broadcast_in_dim3A_800] : memref<16x32xf32, #tpu.memory_space<vmem>>[vector<16xi32>, vector<16xi32>], vector<16xf32>,
      %mul3A_803 = arith.mulf %gather3A_801, %gather3A_802 : vector<16xf32>
      %mul3A_804 = arith.mulf %mul3A_803, %get3A_11 : vector<16xf32>
      %add3A_805 = arith.addf %add3A_798, %mul3A_804 : vector<16xf32>
      %broadcast_in_dim3A_806 = arith.constant 4 : i32
      %broadcast_in_dim3A_807 = vector.broadcast %broadcast_in_dim3A_806 : i32 to vector<16xi32>
      %gather3A_808 = tpu.vector_load_idx %arg11[%iota3A, %broadcast_in_dim3A_807] : memref<16x32xf32, #tpu.memory_space<vmem>>[vector<16xi32>, vector<16xi32>], vector<16xf32>,
      %gather3A_809 = tpu.vector_load_idx %arg12[%iota3A, %broadcast_in_dim3A_807] : memref<16x32xf32, #tpu.memory_space<vmem>>[vector<16xi32>, vector<16xi32>], vector<16xf32>,
      %mul3A_810 = arith.mulf %gather3A_808, %gather3A_809 : vector<16xf32>
      %mul3A_811 = arith.mulf %mul3A_810, %get3A_13 : vector<16xf32>
      %add3A_812 = arith.addf %add3A_805, %mul3A_811 : vector<16xf32>
      %broadcast_in_dim3A_813 = arith.constant 5 : i32
      %broadcast_in_dim3A_814 = vector.broadcast %broadcast_in_dim3A_813 : i32 to vector<16xi32>
      %gather3A_815 = tpu.vector_load_idx %arg11[%iota3A, %broadcast_in_dim3A_814] : memref<16x32xf32, #tpu.memory_space<vmem>>[vector<16xi32>, vector<16xi32>], vector<16xf32>,
      %gather3A_816 = tpu.vector_load_idx %arg12[%iota3A, %broadcast_in_dim3A_814] : memref<16x32xf32, #tpu.memory_space<vmem>>[vector<16xi32>, vector<16xi32>], vector<16xf32>,
      %mul3A_817 = arith.mulf %gather3A_815, %gather3A_816 : vector<16xf32>
      %mul3A_818 = arith.mulf %mul3A_817, %get3A_15 : vector<16xf32>
      %add3A_819 = arith.addf %add3A_812, %mul3A_818 : vector<16xf32>
      %broadcast_in_dim3A_820 = arith.constant 6 : i32
      %broadcast_in_dim3A_821 = vector.broadcast %broadcast_in_dim3A_820 : i32 to vector<16xi32>
      %gather3A_822 = tpu.vector_load_idx %arg11[%iota3A, %broadcast_in_dim3A_821] : memref<16x32xf32, #tpu.memory_space<vmem>>[vector<16xi32>, vector<16xi32>], vector<16xf32>,
      %gather3A_823 = tpu.vector_load_idx %arg12[%iota3A, %broadcast_in_dim3A_821] : memref<16x32xf32, #tpu.memory_space<vmem>>[vector<16xi32>, vector<16xi32>], vector<16xf32>,
      %mul3A_824 = arith.mulf %gather3A_822, %gather3A_823 : vector<16xf32>
      %mul3A_825 = arith.mulf %mul3A_824, %get3A_17 : vector<16xf32>
      %add3A_826 = arith.addf %add3A_819, %mul3A_825 : vector<16xf32>
      %broadcast_in_dim3A_827 = arith.constant 7 : i32
      %broadcast_in_dim3A_828 = vector.broadcast %broadcast_in_dim3A_827 : i32 to vector<16xi32>
      %gather3A_829 = tpu.vector_load_idx %arg11[%iota3A, %broadcast_in_dim3A_828] : memref<16x32xf32, #tpu.memory_space<vmem>>[vector<16xi32>, vector<16xi32>], vector<16xf32>,
      %gather3A_830 = tpu.vector_load_idx %arg12[%iota3A, %broadcast_in_dim3A_828] : memref<16x32xf32, #tpu.memory_space<vmem>>[vector<16xi32>, vector<16xi32>], vector<16xf32>,
      %mul3A_831 = arith.mulf %gather3A_829, %gather3A_830 : vector<16xf32>
      %mul3A_832 = arith.mulf %mul3A_831, %get3A_19 : vector<16xf32>
      %add3A_833 = arith.addf %add3A_826, %mul3A_832 : vector<16xf32>
      %broadcast_in_dim3A_834 = arith.constant 8 : i32
      %broadcast_in_dim3A_835 = vector.broadcast %broadcast_in_dim3A_834 : i32 to vector<16xi32>
      %gather3A_836 = tpu.vector_load_idx %arg11[%iota3A, %broadcast_in_dim3A_835] : memref<16x32xf32, #tpu.memory_space<vmem>>[vector<16xi32>, vector<16xi32>], vector<16xf32>,
      %gather3A_837 = tpu.vector_load_idx %arg12[%iota3A, %broadcast_in_dim3A_835] : memref<16x32xf32, #tpu.memory_space<vmem>>[vector<16xi32>, vector<16xi32>], vector<16xf32>,
      %mul3A_838 = arith.mulf %gather3A_836, %gather3A_837 : vector<16xf32>
      %mul3A_839 = arith.mulf %mul3A_838, %get3A_21 : vector<16xf32>
      %add3A_840 = arith.addf %add3A_833, %mul3A_839 : vector<16xf32>
      %broadcast_in_dim3A_841 = arith.constant 9 : i32
      %broadcast_in_dim3A_842 = vector.broadcast %broadcast_in_dim3A_841 : i32 to vector<16xi32>
      %gather3A_843 = tpu.vector_load_idx %arg11[%iota3A, %broadcast_in_dim3A_842] : memref<16x32xf32, #tpu.memory_space<vmem>>[vector<16xi32>, vector<16xi32>], vector<16xf32>,
      %gather3A_844 = tpu.vector_load_idx %arg12[%iota3A, %broadcast_in_dim3A_842] : memref<16x32xf32, #tpu.memory_space<vmem>>[vector<16xi32>, vector<16xi32>], vector<16xf32>,
      %mul3A_845 = arith.mulf %gather3A_843, %gather3A_844 : vector<16xf32>
      %mul3A_846 = arith.mulf %mul3A_845, %get3A_23 : vector<16xf32>
      %add3A_847 = arith.addf %add3A_840, %mul3A_846 : vector<16xf32>
      %broadcast_in_dim3A_848 = arith.constant 10 : i32
      %broadcast_in_dim3A_849 = vector.broadcast %broadcast_in_dim3A_848 : i32 to vector<16xi32>
      %gather3A_850 = tpu.vector_load_idx %arg11[%iota3A, %broadcast_in_dim3A_849] : memref<16x32xf32, #tpu.memory_space<vmem>>[vector<16xi32>, vector<16xi32>], vector<16xf32>,
      %gather3A_851 = tpu.vector_load_idx %arg12[%iota3A, %broadcast_in_dim3A_849] : memref<16x32xf32, #tpu.memory_space<vmem>>[vector<16xi32>, vector<16xi32>], vector<16xf32>,
      %mul3A_852 = arith.mulf %gather3A_850, %gather3A_851 : vector<16xf32>
      %mul3A_853 = arith.mulf %mul3A_852, %get3A_25 : vector<16xf32>
      %add3A_854 = arith.addf %add3A_847, %mul3A_853 : vector<16xf32>
      %broadcast_in_dim3A_855 = arith.constant 11 : i32
      %broadcast_in_dim3A_856 = vector.broadcast %broadcast_in_dim3A_855 : i32 to vector<16xi32>
      %gather3A_857 = tpu.vector_load_idx %arg11[%iota3A, %broadcast_in_dim3A_856] : memref<16x32xf32, #tpu.memory_space<vmem>>[vector<16xi32>, vector<16xi32>], vector<16xf32>,
      %gather3A_858 = tpu.vector_load_idx %arg12[%iota3A, %broadcast_in_dim3A_856] : memref<16x32xf32, #tpu.memory_space<vmem>>[vector<16xi32>, vector<16xi32>], vector<16xf32>,
      %mul3A_859 = arith.mulf %gather3A_857, %gather3A_858 : vector<16xf32>
      %mul3A_860 = arith.mulf %mul3A_859, %get3A_27 : vector<16xf32>
      %add3A_861 = arith.addf %add3A_854, %mul3A_860 : vector<16xf32>
      %broadcast_in_dim3A_862 = arith.constant 12 : i32
      %broadcast_in_dim3A_863 = vector.broadcast %broadcast_in_dim3A_862 : i32 to vector<16xi32>
      %gather3A_864 = tpu.vector_load_idx %arg11[%iota3A, %broadcast_in_dim3A_863] : memref<16x32xf32, #tpu.memory_space<vmem>>[vector<16xi32>, vector<16xi32>], vector<16xf32>,
      %gather3A_865 = tpu.vector_load_idx %arg12[%iota3A, %broadcast_in_dim3A_863] : memref<16x32xf32, #tpu.memory_space<vmem>>[vector<16xi32>, vector<16xi32>], vector<16xf32>,
      %mul3A_866 = arith.mulf %gather3A_864, %gather3A_865 : vector<16xf32>
      %mul3A_867 = arith.mulf %mul3A_866, %get3A_29 : vector<16xf32>
      %add3A_868 = arith.addf %add3A_861, %mul3A_867 : vector<16xf32>
      %broadcast_in_dim3A_869 = arith.constant 13 : i32
      %broadcast_in_dim3A_870 = vector.broadcast %broadcast_in_dim3A_869 : i32 to vector<16xi32>
      %gather3A_871 = tpu.vector_load_idx %arg11[%iota3A, %broadcast_in_dim3A_870] : memref<16x32xf32, #tpu.memory_space<vmem>>[vector<16xi32>, vector<16xi32>], vector<16xf32>,
      %gather3A_872 = tpu.vector_load_idx %arg12[%iota3A, %broadcast_in_dim3A_870] : memref<16x32xf32, #tpu.memory_space<vmem>>[vector<16xi32>, vector<16xi32>], vector<16xf32>,
      %mul3A_873 = arith.mulf %gather3A_871, %gather3A_872 : vector<16xf32>
      %mul3A_874 = arith.mulf %mul3A_873, %get3A_31 : vector<16xf32>
      %add3A_875 = arith.addf %add3A_868, %mul3A_874 : vector<16xf32>
      %broadcast_in_dim3A_876 = arith.constant 14 : i32
      %broadcast_in_dim3A_877 = vector.broadcast %broadcast_in_dim3A_876 : i32 to vector<16xi32>
      %gather3A_878 = tpu.vector_load_idx %arg11[%iota3A, %broadcast_in_dim3A_877] : memref<16x32xf32, #tpu.memory_space<vmem>>[vector<16xi32>, vector<16xi32>], vector<16xf32>,
      %gather3A_879 = tpu.vector_load_idx %arg12[%iota3A, %broadcast_in_dim3A_877] : memref<16x32xf32, #tpu.memory_space<vmem>>[vector<16xi32>, vector<16xi32>], vector<16xf32>,
      %mul3A_880 = arith.mulf %gather3A_878, %gather3A_879 : vector<16xf32>
      %mul3A_881 = arith.mulf %mul3A_880, %get3A_33 : vector<16xf32>
      %add3A_882 = arith.addf %add3A_875, %mul3A_881 : vector<16xf32>
      %broadcast_in_dim3A_883 = arith.constant 15 : i32
      %broadcast_in_dim3A_884 = vector.broadcast %broadcast_in_dim3A_883 : i32 to vector<16xi32>
      %gather3A_885 = tpu.vector_load_idx %arg11[%iota3A, %broadcast_in_dim3A_884] : memref<16x32xf32, #tpu.memory_space<vmem>>[vector<16xi32>, vector<16xi32>], vector<16xf32>,
      %gather3A_886 = tpu.vector_load_idx %arg12[%iota3A, %broadcast_in_dim3A_884] : memref<16x32xf32, #tpu.memory_space<vmem>>[vector<16xi32>, vector<16xi32>], vector<16xf32>,
      %mul3A_887 = arith.mulf %gather3A_885, %gather3A_886 : vector<16xf32>
      %mul3A_888 = arith.mulf %mul3A_887, %get3A_35 : vector<16xf32>
      %add3A_889 = arith.addf %add3A_882, %mul3A_888 : vector<16xf32>
      %broadcast_in_dim3A_890 = arith.constant 16 : i32
      %broadcast_in_dim3A_891 = vector.broadcast %broadcast_in_dim3A_890 : i32 to vector<16xi32>
      %gather3A_892 = tpu.vector_load_idx %arg11[%iota3A, %broadcast_in_dim3A_891] : memref<16x32xf32, #tpu.memory_space<vmem>>[vector<16xi32>, vector<16xi32>], vector<16xf32>,
      %gather3A_893 = tpu.vector_load_idx %arg12[%iota3A, %broadcast_in_dim3A_891] : memref<16x32xf32, #tpu.memory_space<vmem>>[vector<16xi32>, vector<16xi32>], vector<16xf32>,
      %mul3A_894 = arith.mulf %gather3A_892, %gather3A_893 : vector<16xf32>
      %mul3A_895 = arith.mulf %mul3A_894, %get3A_37 : vector<16xf32>
      %add3A_896 = arith.addf %add3A_889, %mul3A_895 : vector<16xf32>
      %broadcast_in_dim3A_897 = arith.constant 17 : i32
      %broadcast_in_dim3A_898 = vector.broadcast %broadcast_in_dim3A_897 : i32 to vector<16xi32>
      %gather3A_899 = tpu.vector_load_idx %arg11[%iota3A, %broadcast_in_dim3A_898] : memref<16x32xf32, #tpu.memory_space<vmem>>[vector<16xi32>, vector<16xi32>], vector<16xf32>,
      %gather3A_900 = tpu.vector_load_idx %arg12[%iota3A, %broadcast_in_dim3A_898] : memref<16x32xf32, #tpu.memory_space<vmem>>[vector<16xi32>, vector<16xi32>], vector<16xf32>,
      %mul3A_901 = arith.mulf %gather3A_899, %gather3A_900 : vector<16xf32>
      %mul3A_902 = arith.mulf %mul3A_901, %get3A_39 : vector<16xf32>
      %add3A_903 = arith.addf %add3A_896, %mul3A_902 : vector<16xf32>
      %broadcast_in_dim3A_904 = arith.constant 18 : i32
      %broadcast_in_dim3A_905 = vector.broadcast %broadcast_in_dim3A_904 : i32 to vector<16xi32>
      %gather3A_906 = tpu.vector_load_idx %arg11[%iota3A, %broadcast_in_dim3A_905] : memref<16x32xf32, #tpu.memory_space<vmem>>[vector<16xi32>, vector<16xi32>], vector<16xf32>,
      %gather3A_907 = tpu.vector_load_idx %arg12[%iota3A, %broadcast_in_dim3A_905] : memref<16x32xf32, #tpu.memory_space<vmem>>[vector<16xi32>, vector<16xi32>], vector<16xf32>,
      %mul3A_908 = arith.mulf %gather3A_906, %gather3A_907 : vector<16xf32>
      %mul3A_909 = arith.mulf %mul3A_908, %get3A_41 : vector<16xf32>
      %add3A_910 = arith.addf %add3A_903, %mul3A_909 : vector<16xf32>
      %broadcast_in_dim3A_911 = arith.constant 19 : i32
      %broadcast_in_dim3A_912 = vector.broadcast %broadcast_in_dim3A_911 : i32 to vector<16xi32>
      %gather3A_913 = tpu.vector_load_idx %arg11[%iota3A, %broadcast_in_dim3A_912] : memref<16x32xf32, #tpu.memory_space<vmem>>[vector<16xi32>, vector<16xi32>], vector<16xf32>,
      %gather3A_914 = tpu.vector_load_idx %arg12[%iota3A, %broadcast_in_dim3A_912] : memref<16x32xf32, #tpu.memory_space<vmem>>[vector<16xi32>, vector<16xi32>], vector<16xf32>,
      %mul3A_915 = arith.mulf %gather3A_913, %gather3A_914 : vector<16xf32>
      %mul3A_916 = arith.mulf %mul3A_915, %get3A_43 : vector<16xf32>
      %add3A_917 = arith.addf %add3A_910, %mul3A_916 : vector<16xf32>
      %broadcast_in_dim3A_918 = arith.constant 20 : i32
      %broadcast_in_dim3A_919 = vector.broadcast %broadcast_in_dim3A_918 : i32 to vector<16xi32>
      %gather3A_920 = tpu.vector_load_idx %arg11[%iota3A, %broadcast_in_dim3A_919] : memref<16x32xf32, #tpu.memory_space<vmem>>[vector<16xi32>, vector<16xi32>], vector<16xf32>,
      %gather3A_921 = tpu.vector_load_idx %arg12[%iota3A, %broadcast_in_dim3A_919] : memref<16x32xf32, #tpu.memory_space<vmem>>[vector<16xi32>, vector<16xi32>], vector<16xf32>,
      %mul3A_922 = arith.mulf %gather3A_920, %gather3A_921 : vector<16xf32>
      %mul3A_923 = arith.mulf %mul3A_922, %get3A_45 : vector<16xf32>
      %add3A_924 = arith.addf %add3A_917, %mul3A_923 : vector<16xf32>
      %broadcast_in_dim3A_925 = arith.constant 21 : i32
      %broadcast_in_dim3A_926 = vector.broadcast %broadcast_in_dim3A_925 : i32 to vector<16xi32>
      %gather3A_927 = tpu.vector_load_idx %arg11[%iota3A, %broadcast_in_dim3A_926] : memref<16x32xf32, #tpu.memory_space<vmem>>[vector<16xi32>, vector<16xi32>], vector<16xf32>,
      %gather3A_928 = tpu.vector_load_idx %arg12[%iota3A, %broadcast_in_dim3A_926] : memref<16x32xf32, #tpu.memory_space<vmem>>[vector<16xi32>, vector<16xi32>], vector<16xf32>,
      %mul3A_929 = arith.mulf %gather3A_927, %gather3A_928 : vector<16xf32>
      %mul3A_930 = arith.mulf %mul3A_929, %get3A_47 : vector<16xf32>
      %add3A_931 = arith.addf %add3A_924, %mul3A_930 : vector<16xf32>
      %broadcast_in_dim3A_932 = arith.constant 22 : i32
      %broadcast_in_dim3A_933 = vector.broadcast %broadcast_in_dim3A_932 : i32 to vector<16xi32>
      %gather3A_934 = tpu.vector_load_idx %arg11[%iota3A, %broadcast_in_dim3A_933] : memref<16x32xf32, #tpu.memory_space<vmem>>[vector<16xi32>, vector<16xi32>], vector<16xf32>,
      %gather3A_935 = tpu.vector_load_idx %arg12[%iota3A, %broadcast_in_dim3A_933] : memref<16x32xf32, #tpu.memory_space<vmem>>[vector<16xi32>, vector<16xi32>], vector<16xf32>,
      %mul3A_936 = arith.mulf %gather3A_934, %gather3A_935 : vector<16xf32>
      %mul3A_937 = arith.mulf %mul3A_936, %get3A_49 : vector<16xf32>
      %add3A_938 = arith.addf %add3A_931, %mul3A_937 : vector<16xf32>
      %broadcast_in_dim3A_939 = arith.constant 23 : i32
      %broadcast_in_dim3A_940 = vector.broadcast %broadcast_in_dim3A_939 : i32 to vector<16xi32>
      %gather3A_941 = tpu.vector_load_idx %arg11[%iota3A, %broadcast_in_dim3A_940] : memref<16x32xf32, #tpu.memory_space<vmem>>[vector<16xi32>, vector<16xi32>], vector<16xf32>,
      %gather3A_942 = tpu.vector_load_idx %arg12[%iota3A, %broadcast_in_dim3A_940] : memref<16x32xf32, #tpu.memory_space<vmem>>[vector<16xi32>, vector<16xi32>], vector<16xf32>,
      %mul3A_943 = arith.mulf %gather3A_941, %gather3A_942 : vector<16xf32>
      %mul3A_944 = arith.mulf %mul3A_943, %get3A_51 : vector<16xf32>
      %add3A_945 = arith.addf %add3A_938, %mul3A_944 : vector<16xf32>
      %broadcast_in_dim3A_946 = arith.constant 24 : i32
      %broadcast_in_dim3A_947 = vector.broadcast %broadcast_in_dim3A_946 : i32 to vector<16xi32>
      %gather3A_948 = tpu.vector_load_idx %arg11[%iota3A, %broadcast_in_dim3A_947] : memref<16x32xf32, #tpu.memory_space<vmem>>[vector<16xi32>, vector<16xi32>], vector<16xf32>,
      %gather3A_949 = tpu.vector_load_idx %arg12[%iota3A, %broadcast_in_dim3A_947] : memref<16x32xf32, #tpu.memory_space<vmem>>[vector<16xi32>, vector<16xi32>], vector<16xf32>,
      %mul3A_950 = arith.mulf %gather3A_948, %gather3A_949 : vector<16xf32>
      %mul3A_951 = arith.mulf %mul3A_950, %get3A_53 : vector<16xf32>
      %add3A_952 = arith.addf %add3A_945, %mul3A_951 : vector<16xf32>
      %broadcast_in_dim3A_953 = arith.constant 25 : i32
      %broadcast_in_dim3A_954 = vector.broadcast %broadcast_in_dim3A_953 : i32 to vector<16xi32>
      %gather3A_955 = tpu.vector_load_idx %arg11[%iota3A, %broadcast_in_dim3A_954] : memref<16x32xf32, #tpu.memory_space<vmem>>[vector<16xi32>, vector<16xi32>], vector<16xf32>,
      %gather3A_956 = tpu.vector_load_idx %arg12[%iota3A, %broadcast_in_dim3A_954] : memref<16x32xf32, #tpu.memory_space<vmem>>[vector<16xi32>, vector<16xi32>], vector<16xf32>,
      %mul3A_957 = arith.mulf %gather3A_955, %gather3A_956 : vector<16xf32>
      %mul3A_958 = arith.mulf %mul3A_957, %get3A_55 : vector<16xf32>
      %add3A_959 = arith.addf %add3A_952, %mul3A_958 : vector<16xf32>
      %broadcast_in_dim3A_960 = arith.constant 26 : i32
      %broadcast_in_dim3A_961 = vector.broadcast %broadcast_in_dim3A_960 : i32 to vector<16xi32>
      %gather3A_962 = tpu.vector_load_idx %arg11[%iota3A, %broadcast_in_dim3A_961] : memref<16x32xf32, #tpu.memory_space<vmem>>[vector<16xi32>, vector<16xi32>], vector<16xf32>,
      %gather3A_963 = tpu.vector_load_idx %arg12[%iota3A, %broadcast_in_dim3A_961] : memref<16x32xf32, #tpu.memory_space<vmem>>[vector<16xi32>, vector<16xi32>], vector<16xf32>,
      %mul3A_964 = arith.mulf %gather3A_962, %gather3A_963 : vector<16xf32>
      %mul3A_965 = arith.mulf %mul3A_964, %get3A_57 : vector<16xf32>
      %add3A_966 = arith.addf %add3A_959, %mul3A_965 : vector<16xf32>
      %broadcast_in_dim3A_967 = arith.constant 27 : i32
      %broadcast_in_dim3A_968 = vector.broadcast %broadcast_in_dim3A_967 : i32 to vector<16xi32>
      %gather3A_969 = tpu.vector_load_idx %arg11[%iota3A, %broadcast_in_dim3A_968] : memref<16x32xf32, #tpu.memory_space<vmem>>[vector<16xi32>, vector<16xi32>], vector<16xf32>,
      %gather3A_970 = tpu.vector_load_idx %arg12[%iota3A, %broadcast_in_dim3A_968] : memref<16x32xf32, #tpu.memory_space<vmem>>[vector<16xi32>, vector<16xi32>], vector<16xf32>,
      %mul3A_971 = arith.mulf %gather3A_969, %gather3A_970 : vector<16xf32>
      %mul3A_972 = arith.mulf %mul3A_971, %get3A_59 : vector<16xf32>
      %add3A_973 = arith.addf %add3A_966, %mul3A_972 : vector<16xf32>
      %broadcast_in_dim3A_974 = arith.constant 28 : i32
      %broadcast_in_dim3A_975 = vector.broadcast %broadcast_in_dim3A_974 : i32 to vector<16xi32>
      %gather3A_976 = tpu.vector_load_idx %arg11[%iota3A, %broadcast_in_dim3A_975] : memref<16x32xf32, #tpu.memory_space<vmem>>[vector<16xi32>, vector<16xi32>], vector<16xf32>,
      %gather3A_977 = tpu.vector_load_idx %arg12[%iota3A, %broadcast_in_dim3A_975] : memref<16x32xf32, #tpu.memory_space<vmem>>[vector<16xi32>, vector<16xi32>], vector<16xf32>,
      %mul3A_978 = arith.mulf %gather3A_976, %gather3A_977 : vector<16xf32>
      %mul3A_979 = arith.mulf %mul3A_978, %get3A_61 : vector<16xf32>
      %add3A_980 = arith.addf %add3A_973, %mul3A_979 : vector<16xf32>
      %broadcast_in_dim3A_981 = arith.constant 29 : i32
      %broadcast_in_dim3A_982 = vector.broadcast %broadcast_in_dim3A_981 : i32 to vector<16xi32>
      %gather3A_983 = tpu.vector_load_idx %arg11[%iota3A, %broadcast_in_dim3A_982] : memref<16x32xf32, #tpu.memory_space<vmem>>[vector<16xi32>, vector<16xi32>], vector<16xf32>,
      %gather3A_984 = tpu.vector_load_idx %arg12[%iota3A, %broadcast_in_dim3A_982] : memref<16x32xf32, #tpu.memory_space<vmem>>[vector<16xi32>, vector<16xi32>], vector<16xf32>,
      %mul3A_985 = arith.mulf %gather3A_983, %gather3A_984 : vector<16xf32>
      %mul3A_986 = arith.mulf %mul3A_985, %get3A_63 : vector<16xf32>
      %add3A_987 = arith.addf %add3A_980, %mul3A_986 : vector<16xf32>
      %broadcast_in_dim3A_988 = arith.constant 30 : i32
      %broadcast_in_dim3A_989 = vector.broadcast %broadcast_in_dim3A_988 : i32 to vector<16xi32>
      %gather3A_990 = tpu.vector_load_idx %arg11[%iota3A, %broadcast_in_dim3A_989] : memref<16x32xf32, #tpu.memory_space<vmem>>[vector<16xi32>, vector<16xi32>], vector<16xf32>,
      %gather3A_991 = tpu.vector_load_idx %arg12[%iota3A, %broadcast_in_dim3A_989] : memref<16x32xf32, #tpu.memory_space<vmem>>[vector<16xi32>, vector<16xi32>], vector<16xf32>,
      %mul3A_992 = arith.mulf %gather3A_990, %gather3A_991 : vector<16xf32>
      %mul3A_993 = arith.mulf %mul3A_992, %get3A_65 : vector<16xf32>
      %add3A_994 = arith.addf %add3A_987, %mul3A_993 : vector<16xf32>
      %broadcast_in_dim3A_995 = arith.constant 31 : i32
      %broadcast_in_dim3A_996 = vector.broadcast %broadcast_in_dim3A_995 : i32 to vector<16xi32>
      %gather3A_997 = tpu.vector_load_idx %arg11[%iota3A, %broadcast_in_dim3A_996] : memref<16x32xf32, #tpu.memory_space<vmem>>[vector<16xi32>, vector<16xi32>], vector<16xf32>,
      %gather3A_998 = tpu.vector_load_idx %arg12[%iota3A, %broadcast_in_dim3A_996] : memref<16x32xf32, #tpu.memory_space<vmem>>[vector<16xi32>, vector<16xi32>], vector<16xf32>,
      %mul3A_999 = arith.mulf %gather3A_997, %gather3A_998 : vector<16xf32>
      %mul3A_1000 = arith.mulf %mul3A_999, %get3A_67 : vector<16xf32>
      %add3A_1001 = arith.addf %add3A_994, %mul3A_1000 : vector<16xf32>
      %swap3A = arith.index_cast %mul3A_75 : i32 to index
      %swap3A_1002 = tpu.vector_load %arg15[%swap3A] {strides = array<i32>} : memref<512xf32, #tpu.memory_space<vmem>>, vector<16xf32>,
      tpu.vector_store %arg15[%swap3A], %add3A_1001 {strides = array<i32>} : memref<512xf32, #tpu.memory_space<vmem>>, vector<16xf32>,
    }
    %scan3A_72 = arith.constant 32 : i32
    "tpu.region"() ({
      %run_scoped3A = tpu.sem_alloc : memref<!tpu.dma_semaphore, #tpu.memory_space<semaphore_mem>>
      %dma_start3A = tpu.memref_slice %arg8[%mul3A_2] : memref<16384xf32, #tpu.memory_space<hbm>> -> memref<512xf32, #tpu.memory_space<hbm>>
      %dma_start3A_73 = tpu.memref_slice %arg8[%mul3A_2] : memref<16384xf32, #tpu.memory_space<hbm>> -> memref<512xf32, #tpu.memory_space<hbm>>
      tpu.enqueue_dma source(%arg15 : memref<512xf32, #tpu.memory_space<vmem>>) target(%dma_start3A_73 : memref<512xf32, #tpu.memory_space<hbm>>) target_semaphore(%run_scoped3A : memref<!tpu.dma_semaphore, #tpu.memory_space<semaphore_mem>>)
      %dma_wait3A = tpu.memref_slice %arg8[%mul3A_2] : memref<16384xf32, #tpu.memory_space<hbm>> -> memref<512xf32, #tpu.memory_space<hbm>>
      %dma_wait3A_74 = tpu.memref_slice %arg8[%mul3A_2] : memref<16384xf32, #tpu.memory_space<hbm>> -> memref<512xf32, #tpu.memory_space<hbm>>
      tpu.wait_dma2 semaphore(%run_scoped3A : memref<!tpu.dma_semaphore, #tpu.memory_space<semaphore_mem>>) src(%arg15 : memref<512xf32, #tpu.memory_space<vmem>>) dst(%dma_wait3A_74 : memref<512xf32, #tpu.memory_space<hbm>>)
      tpu.yield
    }) : () -> ()
    return
  }
}

</mosaic_0001>

<sc_bundles>
// kernel: kernel.3.cloned.1.call-start
scs
__scs_entry_jumppad:
0x0: {  	(pc) =	sbr.rel $0x88, $3  }
0x1: {  	(tag) =	ssettag $0x0;
	lr =	simm.s32 $0x1  }
0x2: {  	[smem:$0x3F9B] =	sst lr;
	_ =	strace $0xD0000000  }
0x3: {  	_ = 	snop  }
0x4: {  	_ = 	snop  }
0x5: {  	_ = 	snop  }
0x6: {  	_ = 	snop  }
0x7: {  	_ = 	snop  }
__scs_overlays_trampoline_lowered:
0x8: {  	[smem:$0x3FAA] =	sst s0  }
0x9: {  	[smem:$0x3FAB] =	sst s1  }
0xa: {  	[smem:$0x3FAC] =	sst s2  }
0xb: {  	[smem:$0x3FAD] =	sst s3  }
0xc: {  	[smem:$0x3FAE] =	sst s4  }
0xd: {  	[smem:$0x3FAF] =	sst s5  }
0xe: {  	[smem:$0x3FB0] =	sst s6  }
0xf: {  	[smem:$0x3FB1] =	sst s7  }
0x10: {  	[smem:$0x3FB2] =	sst s8  }
0x11: {  	[smem:$0x3FB3] =	sst s9;
	s0 =	simm.s32 @!p0 $0x0  }
0x12: {  	s1 =	sld [smem:$0x3F99];
	s0 =	simm.s32 @p0 $0x1  }
0x13: {  	[smem:$0x3FB4] =	sst s0;
	s0 =	simm.s32 @!p1 $0x0  }
0x14: {  	s2 =	sld [smem:$0x3F98];
	s0 =	simm.s32 @p1 $0x1  }
0x15: {  	[smem:$0x3FB5] =	sst s0;
	s0 =	simm.s32 @!p2 $0x0  }
0x16: {  	s3 =	sld [smem:$0x3FDB];
	s0 =	simm.s32 @p2 $0x1  }
0x17: {  	s4 =	simm.s32 $0x1BF5;
	[smem:$0x3FB7] =	sst s0  }
0x18: {  	s0 =	sld [smem:$0x3F9A];
	_ =	swait.ge [sflag:s4], $0x0  }
0x19: {  	s7 =	sld [smem:$0x3F9B]  }
0x1a: {  	s8 =	sadd.s32 $0xFFFFE003, lr  }
0x1b: {  	s9 =	sadd.s32 $0xFFFFFEF7, lr;
	s5 =	simm.s32 $0xFFFFFFFF;
	p2 =	slt.u32 s8, $0xFFFFF086  }
0x1c: {  	p1 =	slt.u32 s9, $0xF7A;
	s5 =	simm.s32 @!p2 $0x0  }
0x1d: {  	s5 =	simm.s32 @p1 $0x1;
	p0 =	seq.s32 s7, s2  }
0x1e: {  	s7 =	smul.u32 @!p0 $0xF7A, s2;
	p2 =	seq.s32 @!p0 s5, $0x0  }
0x1f: {  	s9 =	smul.u32 $0xF7A, s1;
	s8 =	simm.s32 @!p0 $0x1BF5;
	p2 =	por !p2, p0  }
0x20: {  	[sflag:s8] =	ssyncset.s32 @!p0 $0xFFFFF086;
	s6 =	sadd.s32 @!p0 s3, s7;
	s7 =	simm.s32 @!p0 $0x108  }
0x21: {  	s3 =	sadd.s32 s3, s9;
	s6 =	sadd.s32 @!p0 $0x88, s6;
	s7 =	simm.s32 @p2 $0x1082  }
0x22: {  	[simem:s7], [sflag:s8] =	dma.local @!p0 [hbm:s6], $0xF7A  }
0x23: {  	s9 =	sor.u32 $0xD0000000, s2;
	s6 =	simm.s32 $0x108;
	_ =	swait.ge @!p0 [sflag:s8], $0x0  }
0x24: {  	s3 =	sadd.s32 $0x88, s3;
	s6 =	simm.s32 @!p1 $0x1082;
	[sflag:s4] =	ssyncset.s32 $0xFFFFF086  }
0x25: {  	[simem:s6], [sflag:s4] =	dma.local [hbm:s3], $0xF7A  }
0x26: {  	[smem:$0x3F9B] =	sst s1;
	(tag) =	ssettag s2;
	_ =	strace s9  }
0x27: {  	s1 =	sld [smem:$0x3FAB]  }
0x28: {  	s2 =	sld [smem:$0x3FAC]  }
0x29: {  	s4 =	sld [smem:$0x3FAE]  }
0x2a: {  	p0 =	seq.s32 s5, $0x0;
	s5 =	sld [smem:$0x3FAF]  }
0x2b: {  	s6 =	sld [smem:$0x3FB0]  }
0x2c: {  	s7 =	sld [smem:$0x3FB1]  }
0x2d: {  	s3 =	simm.s32 $0x108;
	s8 =	sld [smem:$0x3FB2]  }
0x2e: {  	s3 =	simm.s32 @!p0 $0x1082;
	s9 =	sld [smem:$0x3FB3]  }
0x2f: {  	lr =	sadd.s32 s0, s3;
	s0 =	sld [smem:$0x3FAA]  }
0x30: {  	s3 =	sld [smem:$0x3FAD]  }
0x31: {  	[smem:$0x3FB6] =	sst s10  }
0x32: {  	s10 =	sld [smem:$0x3FB4];
	_ =	sdelay $0x3  }
0x33: {  	p0 =	seq.s32 s10, $0x1;
	s10 =	sld [smem:$0x3FB6];
	_ =	sdelay $0x3  }
0x34: {  	[smem:$0x3FB6] =	sst s10  }
0x35: {  	s10 =	sld [smem:$0x3FB5];
	_ =	sdelay $0x3  }
0x36: {  	p1 =	seq.s32 s10, $0x1;
	s10 =	sld [smem:$0x3FB6];
	_ =	sdelay $0x3  }
0x37: {  	[smem:$0x3FB6] =	sst s10  }
0x38: {  	s10 =	sld [smem:$0x3FB7]  }
0x39: {  	_ = 	snop;
	(pc) =	sbr.ind lr, $3  }
0x3a: {  	_ = 	snop  }
0x3b: {  	_ = 	snop  }
0x3c: {  	p2 =	seq.s32 s10, $0x1;
	s10 =	sld [smem:$0x3FB6]  }
0x3d: {  	_ =	shalt  }
0x3e: {  	_ =	shalt  }
0x3f: {  	_ =	shalt  }
0x40: {  	_ =	shalt  }
0x41: {  	_ =	shalt  }
0x42: {  	_ =	shalt  }
0x43: {  	_ =	shalt  }
0x44: {  	_ =	shalt  }
0x45: {  	_ =	shalt  }
0x46: {  	_ =	shalt  }
0x47: {  	_ =	shalt  }
0x48: {  	_ =	shalt  }
0x49: {  	_ =	shalt  }
0x4a: {  	_ =	shalt  }
0x4b: {  	_ =	shalt  }
0x4c: {  	_ =	shalt  }
0x4d: {  	_ =	shalt  }
0x4e: {  	_ =	shalt  }
0x4f: {  	_ =	shalt  }
0x50: {  	_ =	shalt  }
0x51: {  	_ =	shalt  }
0x52: {  	_ =	shalt  }
0x53: {  	_ =	shalt  }
0x54: {  	_ =	shalt  }
0x55: {  	_ =	shalt  }
0x56: {  	_ =	shalt  }
0x57: {  	_ =	shalt  }
0x58: {  	_ =	shalt  }
0x59: {  	_ =	shalt  }
0x5a: {  	_ =	shalt  }
0x5b: {  	_ =	shalt  }
0x5c: {  	_ =	shalt  }
0x5d: {  	_ =	shalt  }
0x5e: {  	_ =	shalt  }
0x5f: {  	_ =	shalt  }
0x60: {  	_ =	shalt  }
0x61: {  	_ =	shalt  }
0x62: {  	_ =	shalt  }
0x63: {  	_ =	shalt  }
0x64: {  	_ =	shalt  }
0x65: {  	_ =	shalt  }
0x66: {  	_ =	shalt  }
0x67: {  	_ =	shalt  }
0x68: {  	_ =	shalt  }
0x69: {  	_ =	shalt  }
0x6a: {  	_ =	shalt  }
0x6b: {  	_ =	shalt  }
0x6c: {  	_ =	shalt  }
0x6d: {  	_ =	shalt  }
0x6e: {  	_ =	shalt  }
0x6f: {  	_ =	shalt  }
0x70: {  	_ =	shalt  }
0x71: {  	_ =	shalt  }
0x72: {  	_ =	shalt  }
0x73: {  	_ =	shalt  }
0x74: {  	_ =	shalt  }
0x75: {  	_ =	shalt  }
0x76: {  	_ =	shalt  }
0x77: {  	_ =	shalt  }
0x78: {  	_ =	shalt  }
0x79: {  	_ =	shalt  }
0x7a: {  	_ =	shalt  }
0x7b: {  	_ =	shalt  }
0x7c: {  	_ =	shalt  }
0x7d: {  	_ =	shalt  }
0x7e: {  	_ =	shalt  }
0x7f: {  	_ =	shalt  }
0x80: {  	_ =	shalt  }
0x81: {  	_ =	shalt  }
0x82: {  	_ =	shalt  }
0x83: {  	_ =	shalt  }
0x84: {  	_ =	shalt  }
0x85: {  	_ =	shalt  }
0x86: {  	_ =	shalt  }
0x87: {  	_ =	shalt  }
.Lfunc_end0:
.L_simem_size_0:
called_computation_lowered:
.L_overlay_start_0:
0x88: {  	s2 =	sld [smem:$0x3FD9]  }
0x89: {  	s3 =	sld [smem:$0x3FFE];
	_ =	sdelay $0x1  }
0x8a: {  	s1 =	srdreg.scid  }
0x8b: {  	s0 =	sand.u32 $0x1, s1  }
0x8c: {  	s17 =	sshll.u32 s0, $0xA;
	s2 =	sadd.s32 s3, s2  }
0x8d: {  	s2 =	sadd.s32 s2, s17  }
0x8e: {  	[smem:$0x3FC2] =	sst s2  }
0x8f: {  	_ = 	snop  }
0x90: {  	s2 =	sld [smem:$0x3FC9]  }
0x91: {  	s18 =	sld [smem:$0x3FC8]  }
0x92: {  	s4 =	sld [smem:$0x3FD0];
	(tm) =	ssettm $0x1  }
0x93: {  	s5 =	sld [smem:$0x3FFB];
	_ =	sdelay $0x3  }
0x94: {  	_ =	strace s5  }
0x95: {  	s5 =	sld [smem:$0x3FFC];
	_ =	sdelay $0x3  }
0x96: {  	_ =	strace s5  }
0x97: {  	s5 =	sld [smem:$0x3FFD];
	_ =	sdelay $0x3  }
0x98: {  	_ =	strace s5  }
0x99: {  	_ =	strace $0x8FFFFFFF  }
0x9a: {  	s19 =	sld [smem:$0x3FDB];
	_ =	sdelay $0x1  }
0x9b: {  	s6 =	simm.s32 $_scs_section_size  }
0x9c: {  	s7 =	simm.s32 $_size__tile_overlayer_lowered;
	s8 =	simm.s32 $_tile_overlayer_lowered  }
0x9d: {  	s22 =	simm.s32 $0x1BFF;
	s21 =	sshll.u32 s8, $0x1;
	s5 =	sadd.s32 s6, s19  }
0x9e: {  	s9 =	simm.s32 $0x0;
	s20 =	sshll.u32 s7, $0x1;
	s7 =	sadd.s32 s21, s5  }
0x9f: {  	[timem:s9], [sflag:s22] =	dma.local [hbm:s7], s20  }
0xa0: {  	_ =	swait.ge [sflag:s22], s20  }
0xa1: {  	s6 =	ssub.s32 $0x0, s20;
	[sflag:s22] =	ssyncset.done $0x0  }
0xa2: {  	[sflag:s22] =	ssyncadd.s32 s6;
	_ =	sdelay $0x1  }
0xa3: {  	s23 =	simm.s32 $0x1B8B  }
0xa4: {  	_ =	swait.ge [sflag:s23], $0x1  }
0xa5: {  	[sflag:s23] =	ssyncset.done $0x0  }
0xa6: {  	s25 =	simm.s32 $0x1B8E;
	s24 =	sld [smem:$0x3FFE];
	[sflag:s23] =	ssyncadd.s32 $0xFFFFFFFF  }
0xa7: {  	s26 =	simm.s32 $execute0_lowered;
	[smem:$0x3FD2] =	sst s25  }
0xa8: {  	s7 =	sshll.u32 s26, $0x1;
	_ =	strace $0x80000046;
	[dreg:$0x1] =	wrdreg $0xFFFFFFFF  }
0xa9: {  	s28 =	simm.s32 $_size_execute0_lowered;
	s5 =	sadd.s32 s5, s7;
	[dreg:$0x0] =	wrdreg $0x0  }
0xaa: {  	s7 =	sshll.u32 s28, $0x1;
	[dreg:$0x2] =	wrdreg s5  }
0xab: {  	[dreg:$0x3] =	wrdreg s7  }
0xac: {  	[dreg:$0x4] =	wrdreg $0xC0  }
0xad: {  	_ =	task [dreg:s9], $0x5FFFF  }
0xae: {  	[dreg:$0x1] =	wrdreg $0xFFFFFFFF  }
0xaf: {  	[dreg:$0x0] =	wrdreg $0x60  }
0xb0: {  	[dreg:$0x2] =	wrdreg s2  }
0xb1: {  	[dreg:$0x3] =	wrdreg s18  }
0xb2: {  	[dreg:$0x4] =	wrdreg s24  }
0xb3: {  	[dreg:$0x5] =	wrdreg s4  }
0xb4: {  	[dreg:$0x6] =	wrdreg $0x9  }
0xb5: {  	_ =	task.clear_ibuf [dreg:s9], $0x7FFFF;
	_ =	strace $0x90000046  }
0xb6: {  	s29 =	simm.s32 $0x9;
	_ =	strace $0x80000048  }
0xb7: {  	_ =	swait.ge [sflag:s29], $0x1  }
0xb8: {  	[sflag:s29] =	ssyncadd.s32 $0xFFFFFFFF  }
0xb9: {  	_ =	strace $0x90000048  }
0xba: {  	_ =	sfence  }
0xbb: {  	s30 =	sld [smem:$0x0];
	_ =	sdelay $0x2  }
0xbc: {  	s31 =	sshll.u32 s1, $0xD;
	s1 =	sshrl.u32 s1, $0x2  }
0xbd: {  	s3 =	sand.u32 $0x4000, s31;
	s1 =	sadd.s32 s1, s30  }
0xbe: {  	s0 =	sor.u32 s3, s0;
	s1 =	sshll.u32 s1, $0x11  }
0xbf: {  	s0 =	sor.u32 s1, s0  }
0xc0: {  	s0 =	sadd.s32 $0x8F2B, s0  }
0xc1: {  	[sflag:s0] =	ssyncadd.remote.s32 $0x1  }
0xc2: {  	_ =	sfence.sel $0xFFFF  }
0xc3: {  	[dreg:$0x0] =	wrdreg $0xFFFFFFFF;
	(pc) =	sbr.abs _section_cstart, $3  }
0xc4: {  	[dreg:$0x1] =	wrdreg $0xFFFFFFFF  }
0xc5: {  	_ =	task.clear_ibuf [dreg:s9], $0x2FFFF;
	_ =	strace $0x9FFFFFFF  }
0xc6: {  	(tm) =	ssettm $0x7FFFFFFF  }
0xc7: {  	_ =	shalt  }
tec
execute0_lowered:
.L_overlay_start_1:
0x0: {  	(tag) =	ssettag $0x1  }
0x1: {  	s7 =	rddreg [dreg:$0x0]  }
0x2: {  	s8 =	rddreg [dreg:$0x1]  }
0x3: {  	s5 =	rddreg [dreg:$0x2]  }
0x4: {  	s9 =	rddreg [dreg:$0x3]  }
0x5: {  	s0 =	rddreg [dreg:$0x4];
	s1 =	simm.s32 $0x0  }
0x6: {  	s2 =	simm.s32 $0x480;
	[smem:$0x7FF] =	sst s1  }
0x7: {  	s13 =	simm.s32 $0xC80;
	_ =	strace $0x80000047;
	[dreg:$0x5] =	wrdreg s2  }
0x8: {  	s3 =	simm.s32 $0x500;
	[dreg:$0x6] =	wrdreg s13  }
0x9: {  	s4 =	simm.s32 $0xD00;
	[dreg:$0x7] =	wrdreg s3  }
0xa: {  	s6 =	simm.s32 $0x580;
	[dreg:$0x8] =	wrdreg s4  }
0xb: {  	s14 =	simm.s32 $0xD80;
	[dreg:$0x9] =	wrdreg s6  }
0xc: {  	s15 =	simm.s32 $0x600;
	[dreg:$0xa] =	wrdreg s14  }
0xd: {  	s11 =	simm.s32 $0xE00;
	[dreg:$0xb] =	wrdreg s15  }
0xe: {  	s16 =	simm.s32 $0x680;
	[dreg:$0xc] =	wrdreg s11  }
0xf: {  	s17 =	simm.s32 $0xE80;
	[dreg:$0xd] =	wrdreg s16  }
0x10: {  	s18 =	simm.s32 $0x700;
	[dreg:$0xe] =	wrdreg s17  }
0x11: {  	s19 =	simm.s32 $0xF00;
	[dreg:$0xf] =	wrdreg s18  }
0x12: {  	s10 =	srdreg.scid;
	s20 =	simm.s32 $0x780;
	[dreg:$0x10] =	wrdreg s19  }
0x13: {  	s22 =	simm.s32 $0xF80;
	s23 =	simm.s32 $0x800;
	[dreg:$0x11] =	wrdreg s20  }
0x14: {  	s24 =	simm.s32 $0x1000;
	s25 =	simm.s32 $0x880;
	[dreg:$0x12] =	wrdreg s22  }
0x15: {  	s26 =	simm.s32 $0x1080;
	s28 =	simm.s32 $0x900;
	[dreg:$0x13] =	wrdreg s23  }
0x16: {  	s29 =	simm.s32 $0x1100;
	s30 =	simm.s32 $0x980;
	[dreg:$0x14] =	wrdreg s24  }
0x17: {  	s31 =	simm.s32 $0x1380;
	s10 =	sand.u32 $0x1, s10;
	[dreg:$0x15] =	wrdreg s25  }
0x18: {  	s2 =	sadd.s32 $0x600, s5;
	s3 =	sadd.s32 $0xF42A00, s5;
	[dreg:$0x16] =	wrdreg s26  }
0x19: {  	s4 =	sadd.s32 $0x400, s5;
	s5 =	sadd.s32 $0x1E84E00, s5;
	[dreg:$0x17] =	wrdreg s28  }
0x1a: {  	s6 =	stileid.u32;
	s12 =	ssub.s32 $0x2, s10;
	[dreg:$0x18] =	wrdreg s29  }
0x1b: {  	v0 =	vlaneseq.u32;
	s10 =	sshll.u32 s10, $0x6;
	s11 =	simm.s32 $0x5;
	[dreg:$0x19] =	wrdreg s30  }
0x1c: {  	v0 =	vmul.u32 $0x80, v0;
	s14 =	simm.s32 $0x1180;
	s15 =	simm.s32 $0xA00;
	[smem:$0x7FD] =	sst s31  }
0x1d: {  	s16 =	simm.s32 $0x1200;
	s17 =	simm.s32 $0xA80;
	[dreg:$0x1a] =	wrdreg s14  }
0x1e: {  	s18 =	simm.s32 $0x1280;
	s19 =	simm.s32 $0xB00;
	v1 =	vor.u32 $0x1, v0;
	v2 =	vor.u32 $0x2, v0;
	v3 =	vor.u32 $0x3, v0;
	[dreg:$0x1b] =	wrdreg s15  }
0x1f: {  	s20 =	simm.s32 $0x1300;
	s22 =	simm.s32 $0x0;
	v4 =	vor.u32 $0x4, v0;
	v5 =	vor.u32 $0x5, v0;
	v6 =	vor.u32 $0x6, v0;
	[dreg:$0x1c] =	wrdreg s16  }
0x20: {  	s13 =	sshrl.u32 s12, $0x1;
	s21 =	sshll.u32 s6, $0x7;
	v7 =	vor.u32 $0x7, v0;
	v8 =	vor.u32 $0x8, v0;
	v9 =	vor.u32 $0x9, v0;
	[dreg:$0x1d] =	wrdreg s17  }
0x21: {  	s14 =	simm.s32 $0x1600;
	s15 =	simm.s32 $0x400;
	v10 =	vor.u32 $0xA, v0;
	v11 =	vor.u32 $0xB, v0;
	v12 =	vor.u32 $0xC, v0;
	[dreg:$0x1e] =	wrdreg s18  }
0x22: {  	s16 =	simm.s32 $0xC00;
	v13 =	vor.u32 $0xD, v0;
	v14 =	vor.u32 $0xE, v0;
	v15 =	vor.u32 $0xF, v0;
	s17 =	simm.s32 $0x1;
	[dreg:$0x1f] =	wrdreg s19  }
0x23: {  	v16 =	vor.u32 $0x10, v0;
	v17 =	vor.u32 $0x11, v0;
	v18 =	vor.u32 $0x12, v0;
	s18 =	simm.s32 $0x2;
	s19 =	simm.s32 $0x3;
	[smem:$0x7FB] =	sst s20  }
0x24: {  	v19 =	vor.u32 $0x13, v0;
	v20 =	vor.u32 $0x14, v0;
	v21 =	vor.u32 $0x15, v0;
	s20 =	simm.s32 $0x4;
	s12 =	ssub.s32 s12, s13;
	s10 =	sor.u32 s10, s21  }
0x25: {  	v22 =	vor.u32 $0x16, v0;
	v23 =	vor.u32 $0x17, v0;
	v24 =	vor.u32 $0x18, v0;
	s13 =	simm.s32 $0x1400;
	s21 =	simm.s32 $0xB80;
	s7 =	sadd.s32 s7, s10  }
0x26: {  	v25 =	vor.u32 $0x19, v0;
	v26 =	vor.u32 $0x1A, v0;
	v27 =	vor.u32 $0x1B, v0;
	s8 =	sadd.s32 s8, s10;
	s9 =	sadd.s32 s9, s10;
	s10 =	smax.u32 s12, $0x1  }
0x27: {  	v28 =	vor.u32 $0x1C, v0;
	v29 =	vor.u32 $0x1D, v0;
	v30 =	vor.u32 $0x1E, v0;
	s12 =	simm.s32 $0x200;
	[smem:$0x7FC] =	sst s21;
	s21 =	simm.s32 $0x1680  }
.LBB2_1:
0x28: {  	[tilespmem:s1], [sflag:$0x5] =	stream.linear.gather [hbm4b:s7+s1], $0x200, $0x38;
	[tilespmem:$0x1880] =	vst v63  }
0x29: {  	_ =	swait.ge [sflag:s11], $0x200  }
0x2a: {  	[sflag:s11] =	ssyncset.done $0x0  }
0x2b: {  	[sflag:s11] =	ssyncadd.s32 $0xFFFFFE00  }
0x2c: {  	[tilespmem:s12], [sflag:$0x5] =	stream.linear.gather [hbm4b:s8+s1], $0x200, $0x38;
	[tilespmem:$0x1880] =	vst v63  }
0x2d: {  	_ =	swait.ge [sflag:s11], $0x200  }
0x2e: {  	[sflag:s11] =	ssyncset.done $0x0  }
0x2f: {  	[sflag:s11] =	ssyncadd.s32 $0xFFFFFE00  }
0x30: {  	[tilespmem:s13], [sflag:$0x5] =	stream.linear.gather [hbm4b:s4+s1], $0x200, $0x38;
	[tilespmem:$0x1880] =	vst v63  }
0x31: {  	_ =	swait.ge [sflag:s11], $0x200  }
0x32: {  	[sflag:s11] =	ssyncset.done $0x0  }
0x33: {  	[sflag:s11] =	ssyncadd.s32 $0xFFFFFE00  }
0x34: {  	[tilespmem:s14], [sflag:$0x5] =	stream.linear.gather [hbm4b:s5+s1], $0x80, $0x38;
	[tilespmem:$0x1880] =	vst v63  }
0x35: {  	_ =	swait.ge [sflag:s11], $0x80  }
0x36: {  	[sflag:s11] =	ssyncset.done $0x0  }
0x37: {  	[sflag:s11] =	ssyncadd.s32 $0xFFFFFF80  }
0x38: {  	v31 =	vld [tilespmem:$0x1600];
	_ =	sdelay $0x4  }
0x39: {  	[tilespmem:$0x1FF60] =	vst v31;
	v31 =	vld [tilespmem:$0x1400];
	_ =	sdelay $0x4  }
0x3a: {  	[tilespmem:$0x1FF70] =	vst v31;
	v31 =	vld [tilespmem:$0x1410];
	_ =	sdelay $0x4  }
0x3b: {  	[tilespmem:$0x1FF80] =	vst v31;
	v31 =	vld [tilespmem:$0x1420];
	_ =	sdelay $0x4  }
0x3c: {  	[tilespmem:$0x1FF90] =	vst v31;
	v31 =	vld [tilespmem:$0x1430];
	_ =	sdelay $0x2  }
0x3d: {  	v41 =	vld [tilespmem:$0x1490]  }
0x3e: {  	v42 =	vld [tilespmem:$0x14A0]  }
0x3f: {  	[tilespmem:$0x1FFA0] =	vst v31;
	v31 =	vld [tilespmem:$0x1440]  }
0x40: {  	v43 =	vld [tilespmem:$0x14B0]  }
0x41: {  	v44 =	vld [tilespmem:$0x14C0]  }
0x42: {  	v45 =	vld [tilespmem:$0x14D0]  }
0x43: {  	v46 =	vld [tilespmem:$0x14E0]  }
0x44: {  	[tilespmem:$0x1FFB0] =	vst v31;
	v31 =	vld [tilespmem:$0x1450]  }
0x45: {  	v47 =	vld [tilespmem:$0x14F0]  }
0x46: {  	v48 =	vld [tilespmem:$0x1500]  }
0x47: {  	v49 =	vld [tilespmem:$0x1510]  }
0x48: {  	v50 =	vld [tilespmem:$0x1520]  }
0x49: {  	[tilespmem:$0x1FFC0] =	vst v31;
	v31 =	vld [tilespmem:$0x1460]  }
0x4a: {  	v51 =	vld [tilespmem:$0x1530]  }
0x4b: {  	v52 =	vld [tilespmem:$0x1540]  }
0x4c: {  	v53 =	vld [tilespmem:$0x1550]  }
0x4d: {  	v54 =	vld [tilespmem:$0x1560]  }
0x4e: {  	[tilespmem:$0x1FFD0] =	vst v31;
	v31 =	vld [tilespmem:$0x1470]  }
0x4f: {  	v55 =	vld [tilespmem:$0x1570]  }
0x50: {  	v56 =	vld [tilespmem:$0x1580]  }
0x51: {  	v57 =	vld [tilespmem:$0x1590]  }
0x52: {  	v58 =	vld [tilespmem:$0x15A0]  }
0x53: {  	[tilespmem:$0x1FFE0] =	vst v31;
	v31 =	vld [tilespmem:$0x1480]  }
0x54: {  	v59 =	vld [tilespmem:$0x15B0]  }
0x55: {  	v60 =	vld [tilespmem:$0x15C0]  }
0x56: {  	v61 =	vld [tilespmem:$0x15D0]  }
0x57: {  	v62 =	vld [tilespmem:$0x15E0]  }
0x58: {  	s23 =	simm.s32 $0x0;
	v63 =	vld [tilespmem:$0x15F0];
	[tilespmem:$0x1FFF0] =	vst v31  }
.LBB2_2:
0x59: {  	s24 =	sshra.s32 s23, $0x2  }
0x5a: {  	v31 =	vld [tilespmem:s24+$0x0];
	_ =	sdelay $0x1  }
0x5b: {  	v33 =	vld [tilespmem:s24+$0x200];
	_ =	sdelay $0x2  }
0x5c: {  	v32 =	vshll.u32 v31, $0x4  }
0x5d: {  	(v2sf) =	vpush v32, $0x0  }
0x5e: {  	v31 =	vshll.u32 v33, $0x4  }
0x5f: {  	(v2sf) =	vpush v31, $0x0;
	_ =	sdelay $0x1  }
0x60: {  	(v2sf) =	vpush v32, $0x1;
	_ =	sdelay $0x2  }
0x61: {  	(v2sf) =	vpush v31, $0x1;
	_ =	sdelay $0x7  }
0x62: {  	s25 =	spop (v2sf);
	(v2sf) =	vpush v32, $0x2;
	_ =	sdelay $0x1  }
0x63: {  	s28 =	spop (v2sf);
	(v2sf) =	vpush v31, $0x2;
	_ =	sdelay $0x1  }
0x64: {  	s29 =	spop (v2sf);
	(v2sf) =	vpush v32, $0x3;
	_ =	sdelay $0x1  }
0x65: {  	s25 =	sand.u32 $0x1FFFFFF0, s25  }
0x66: {  	s25 =	sadd.s32 s2, s25;
	s30 =	spop (v2sf);
	(v2sf) =	vpush v31, $0x3  }
0x67: {  	[tilespmem:s15], [sflag:$0x1] =	stream.linear.gather [hbm4b:s25+s1], $0x80, $0x38;
	[tilespmem:$0x1880] =	vst v63  }
0x68: {  	s25 =	sand.u32 $0x1FFFFFF0, s28  }
0x69: {  	s25 =	sadd.s32 s3, s25  }
0x6a: {  	[tilespmem:s16], [sflag:$0x2] =	stream.linear.gather [hbm4b:s25+s1], $0x80, $0x38;
	[tilespmem:$0x1880] =	vst v63  }
0x6b: {  	s25 =	sand.u32 $0x1FFFFFF0, s29  }
0x6c: {  	s26 =	rddreg [dreg:$0x5];
	s25 =	sadd.s32 s2, s25  }
0x6d: {  	[tilespmem:s26], [sflag:$0x3] =	stream.linear.gather [hbm4b:s25+s1], $0x80, $0x38;
	[tilespmem:$0x1880] =	vst v63  }
0x6e: {  	s28 =	spop (v2sf);
	(v2sf) =	vpush v32, $0x4  }
0x6f: {  	s25 =	sand.u32 $0x1FFFFFF0, s30  }
0x70: {  	s31 =	rddreg [dreg:$0x6];
	s25 =	sadd.s32 s3, s25;
	s30 =	spop (v2sf);
	(v2sf) =	vpush v31, $0x4  }
0x71: {  	[tilespmem:s31], [sflag:$0x4] =	stream.linear.gather [hbm4b:s25+s1], $0x80, $0x38;
	[tilespmem:$0x1880] =	vst v63  }
0x72: {  	s25 =	sand.u32 $0x1FFFFFF0, s28;
	s28 =	spop (v2sf);
	(v2sf) =	vpush v32, $0x5  }
0x73: {  	s29 =	rddreg [dreg:$0x7];
	s25 =	sadd.s32 s2, s25  }
0x74: {  	[tilespmem:s29], [sflag:$0x1] =	stream.linear.gather [hbm4b:s25+s1], $0x80, $0x38;
	[tilespmem:$0x1880] =	vst v63  }
0x75: {  	s25 =	sand.u32 $0x1FFFFFF0, s30;
	s30 =	spop (v2sf);
	(v2sf) =	vpush v31, $0x5;
	_ =	sdelay $0x1  }
0x76: {  	s31 =	rddreg [dreg:$0x8];
	s25 =	sadd.s32 s3, s25  }
0x77: {  	[tilespmem:s31], [sflag:$0x2] =	stream.linear.gather [hbm4b:s25+s1], $0x80, $0x38;
	[tilespmem:$0x1880] =	vst v63  }
0x78: {  	s25 =	sand.u32 $0x1FFFFFF0, s28  }
0x79: {  	s29 =	rddreg [dreg:$0x9];
	s25 =	sadd.s32 s2, s25  }
0x7a: {  	[tilespmem:s29], [sflag:$0x3] =	stream.linear.gather [hbm4b:s25+s1], $0x80, $0x38;
	[tilespmem:$0x1880] =	vst v63  }
0x7b: {  	s25 =	sand.u32 $0x1FFFFFF0, s30  }
0x7c: {  	s31 =	rddreg [dreg:$0xa];
	s25 =	sadd.s32 s3, s25;
	s28 =	spop (v2sf);
	(v2sf) =	vpush v32, $0x6  }
0x7d: {  	[tilespmem:s31], [sflag:$0x4] =	stream.linear.gather [hbm4b:s25+s1], $0x80, $0x38;
	[tilespmem:$0x1880] =	vst v63  }
0x7e: {  	s30 =	spop (v2sf);
	(v2sf) =	vpush v31, $0x6  }
0x7f: {  	s25 =	sand.u32 $0x1FFFFFF0, s28  }
0x80: {  	s29 =	rddreg [dreg:$0xb];
	s25 =	sadd.s32 s2, s25;
	s28 =	spop (v2sf)  }
0x81: {  	(v2sf) =	vpush v32, $0x7;
	[tilespmem:s29], [sflag:$0x1] =	stream.linear.gather [hbm4b:s25+s1], $0x80, $0x38;
	[tilespmem:$0x1880] =	vst v63  }
0x82: {  	s25 =	sand.u32 $0x1FFFFFF0, s30  }
0x83: {  	s31 =	rddreg [dreg:$0xc];
	s30 =	spop (v2sf);
	s25 =	sadd.s32 s3, s25  }
0x84: {  	(v2sf) =	vpush v31, $0x7;
	[tilespmem:s31], [sflag:$0x2] =	stream.linear.gather [hbm4b:s25+s1], $0x80, $0x38;
	[tilespmem:$0x1880] =	vst v63  }
0x85: {  	s25 =	sand.u32 $0x1FFFFFF0, s28  }
0x86: {  	s29 =	rddreg [dreg:$0xd];
	s25 =	sadd.s32 s2, s25  }
0x87: {  	[tilespmem:s29], [sflag:$0x3] =	stream.linear.gather [hbm4b:s25+s1], $0x80, $0x38;
	[tilespmem:$0x1880] =	vst v63  }
0x88: {  	s25 =	sand.u32 $0x1FFFFFF0, s30  }
0x89: {  	s31 =	rddreg [dreg:$0xe];
	s25 =	sadd.s32 s3, s25  }
0x8a: {  	[tilespmem:s31], [sflag:$0x4] =	stream.linear.gather [hbm4b:s25+s1], $0x80, $0x38;
	[tilespmem:$0x1880] =	vst v63  }
0x8b: {  	s28 =	spop (v2sf)  }
0x8c: {  	s25 =	sand.u32 $0x1FFFFFF0, s28  }
0x8d: {  	s29 =	rddreg [dreg:$0xf];
	s30 =	spop (v2sf);
	s25 =	sadd.s32 s2, s25  }
0x8e: {  	[tilespmem:s29], [sflag:$0x1] =	stream.linear.gather [hbm4b:s25+s1], $0x80, $0x38;
	[tilespmem:$0x1880] =	vst v63  }
0x8f: {  	s25 =	sand.u32 $0x1FFFFFF0, s30  }
0x90: {  	s31 =	rddreg [dreg:$0x10];
	s28 =	spop (v2sf);
	s25 =	sadd.s32 s3, s25  }
0x91: {  	[tilespmem:s31], [sflag:$0x2] =	stream.linear.gather [hbm4b:s25+s1], $0x80, $0x38;
	[tilespmem:$0x1880] =	vst v63  }
0x92: {  	s25 =	sand.u32 $0x1FFFFFF0, s28  }
0x93: {  	s29 =	rddreg [dreg:$0x11];
	s30 =	spop (v2sf);
	s25 =	sadd.s32 s2, s25  }
0x94: {  	[tilespmem:s29], [sflag:$0x3] =	stream.linear.gather [hbm4b:s25+s1], $0x80, $0x38;
	[tilespmem:$0x1880] =	vst v63  }
0x95: {  	s25 =	sand.u32 $0x1FFFFFF0, s30  }
0x96: {  	s31 =	rddreg [dreg:$0x12];
	s25 =	sadd.s32 s3, s25  }
0x97: {  	[tilespmem:s31], [sflag:$0x4] =	stream.linear.gather [hbm4b:s25+s1], $0x80, $0x38;
	[tilespmem:$0x1880] =	vst v63  }
0x98: {  	_ =	swait.ge [sflag:s17], $0x80  }
0x99: {  	[sflag:s17] =	ssyncset.done $0x0  }
0x9a: {  	[sflag:s17] =	ssyncadd.s32 $0xFFFFFF80  }
0x9b: {  	_ =	swait.ge [sflag:s18], $0x80  }
0x9c: {  	[sflag:s18] =	ssyncset.done $0x0  }
0x9d: {  	[sflag:s18] =	ssyncadd.s32 $0xFFFFFF80  }
0x9e: {  	_ =	swait.ge [sflag:s19], $0x80  }
0x9f: {  	[sflag:s19] =	ssyncset.done $0x0  }
0xa0: {  	[sflag:s19] =	ssyncadd.s32 $0xFFFFFF80  }
0xa1: {  	_ =	swait.ge [sflag:s20], $0x80  }
0xa2: {  	[sflag:s20] =	ssyncset.done $0x0  }
0xa3: {  	[sflag:s20] =	ssyncadd.s32 $0xFFFFFF80  }
0xa4: {  	_ =	swait.ge [sflag:s17], $0x80  }
0xa5: {  	[sflag:s17] =	ssyncset.done $0x0  }
0xa6: {  	[sflag:s17] =	ssyncadd.s32 $0xFFFFFF80  }
0xa7: {  	_ =	swait.ge [sflag:s18], $0x80  }
0xa8: {  	[sflag:s18] =	ssyncset.done $0x0  }
0xa9: {  	[sflag:s18] =	ssyncadd.s32 $0xFFFFFF80  }
0xaa: {  	_ =	swait.ge [sflag:s19], $0x80  }
0xab: {  	[sflag:s19] =	ssyncset.done $0x0  }
0xac: {  	[sflag:s19] =	ssyncadd.s32 $0xFFFFFF80  }
0xad: {  	_ =	swait.ge [sflag:s20], $0x80  }
0xae: {  	[sflag:s20] =	ssyncset.done $0x0  }
0xaf: {  	[sflag:s20] =	ssyncadd.s32 $0xFFFFFF80  }
0xb0: {  	_ =	swait.ge [sflag:s17], $0x80  }
0xb1: {  	[sflag:s17] =	ssyncset.done $0x0  }
0xb2: {  	[sflag:s17] =	ssyncadd.s32 $0xFFFFFF80  }
0xb3: {  	_ =	swait.ge [sflag:s18], $0x80  }
0xb4: {  	[sflag:s18] =	ssyncset.done $0x0  }
0xb5: {  	[sflag:s18] =	ssyncadd.s32 $0xFFFFFF80  }
0xb6: {  	_ =	swait.ge [sflag:s19], $0x80  }
0xb7: {  	[sflag:s19] =	ssyncset.done $0x0  }
0xb8: {  	[sflag:s19] =	ssyncadd.s32 $0xFFFFFF80  }
0xb9: {  	_ =	swait.ge [sflag:s20], $0x80  }
0xba: {  	[sflag:s20] =	ssyncset.done $0x0  }
0xbb: {  	[sflag:s20] =	ssyncadd.s32 $0xFFFFFF80  }
0xbc: {  	_ =	swait.ge [sflag:s17], $0x80  }
0xbd: {  	[sflag:s17] =	ssyncset.done $0x0  }
0xbe: {  	[sflag:s17] =	ssyncadd.s32 $0xFFFFFF80  }
0xbf: {  	_ =	swait.ge [sflag:s18], $0x80  }
0xc0: {  	[sflag:s18] =	ssyncset.done $0x0  }
0xc1: {  	[sflag:s18] =	ssyncadd.s32 $0xFFFFFF80  }
0xc2: {  	_ =	swait.ge [sflag:s19], $0x80  }
0xc3: {  	[sflag:s19] =	ssyncset.done $0x0  }
0xc4: {  	[sflag:s19] =	ssyncadd.s32 $0xFFFFFF80  }
0xc5: {  	_ =	swait.ge [sflag:s20], $0x80  }
0xc6: {  	(v2sf) =	vpush v32, $0x8;
	_ =	sdelay $0x1  }
0xc7: {  	(v2sf) =	vpush v31, $0x8;
	_ =	sdelay $0x1  }
0xc8: {  	(v2sf) =	vpush v32, $0x9;
	_ =	sdelay $0x2  }
0xc9: {  	(v2sf) =	vpush v31, $0x9;
	_ =	sdelay $0x7  }
0xca: {  	s28 =	spop (v2sf);
	(v2sf) =	vpush v32, $0xA;
	_ =	sdelay $0x1  }
0xcb: {  	s30 =	spop (v2sf);
	(v2sf) =	vpush v31, $0xA;
	_ =	sdelay $0x1  }
0xcc: {  	[sflag:s20] =	ssyncset.done $0x0;
	s25 =	sand.u32 $0x1FFFFFF0, s28;
	s28 =	spop (v2sf);
	(v2sf) =	vpush v32, $0xB  }
0xcd: {  	s29 =	rddreg [dreg:$0x13];
	[sflag:s20] =	ssyncadd.s32 $0xFFFFFF80;
	s25 =	sadd.s32 s2, s25  }
0xce: {  	[tilespmem:s29], [sflag:$0x1] =	stream.linear.gather [hbm4b:s25+s1], $0x80, $0x38;
	[tilespmem:$0x1880] =	vst v63  }
0xcf: {  	s25 =	sand.u32 $0x1FFFFFF0, s30;
	s30 =	spop (v2sf);
	(v2sf) =	vpush v31, $0xB;
	_ =	sdelay $0x2  }
0xd0: {  	s31 =	rddreg [dreg:$0x14];
	s25 =	sadd.s32 s3, s25  }
0xd1: {  	[tilespmem:s31], [sflag:$0x2] =	stream.linear.gather [hbm4b:s25+s1], $0x80, $0x38;
	[tilespmem:$0x1880] =	vst v63  }
0xd2: {  	s25 =	sand.u32 $0x1FFFFFF0, s28  }
0xd3: {  	s29 =	rddreg [dreg:$0x15];
	s25 =	sadd.s32 s2, s25  }
0xd4: {  	[tilespmem:s29], [sflag:$0x3] =	stream.linear.gather [hbm4b:s25+s1], $0x80, $0x38;
	[tilespmem:$0x1880] =	vst v63  }
0xd5: {  	s28 =	spop (v2sf);
	(v2sf) =	vpush v32, $0xC  }
0xd6: {  	s25 =	sand.u32 $0x1FFFFFF0, s30  }
0xd7: {  	s31 =	rddreg [dreg:$0x16];
	s25 =	sadd.s32 s3, s25;
	s30 =	spop (v2sf);
	(v2sf) =	vpush v31, $0xC  }
0xd8: {  	[tilespmem:s31], [sflag:$0x4] =	stream.linear.gather [hbm4b:s25+s1], $0x80, $0x38;
	[tilespmem:$0x1880] =	vst v63  }
0xd9: {  	s25 =	sand.u32 $0x1FFFFFF0, s28;
	s28 =	spop (v2sf);
	(v2sf) =	vpush v32, $0xD  }
0xda: {  	s29 =	rddreg [dreg:$0x17];
	s25 =	sadd.s32 s2, s25  }
0xdb: {  	[tilespmem:s29], [sflag:$0x1] =	stream.linear.gather [hbm4b:s25+s1], $0x80, $0x38;
	[tilespmem:$0x1880] =	vst v63  }
0xdc: {  	s25 =	sand.u32 $0x1FFFFFF0, s30;
	s30 =	spop (v2sf);
	(v2sf) =	vpush v31, $0xD;
	_ =	sdelay $0x1  }
0xdd: {  	s31 =	rddreg [dreg:$0x18];
	s25 =	sadd.s32 s3, s25  }
0xde: {  	[tilespmem:s31], [sflag:$0x2] =	stream.linear.gather [hbm4b:s25+s1], $0x80, $0x38;
	[tilespmem:$0x1880] =	vst v63  }
0xdf: {  	s25 =	sand.u32 $0x1FFFFFF0, s28  }
0xe0: {  	s29 =	rddreg [dreg:$0x19];
	s25 =	sadd.s32 s2, s25  }
0xe1: {  	[tilespmem:s29], [sflag:$0x3] =	stream.linear.gather [hbm4b:s25+s1], $0x80, $0x38;
	[tilespmem:$0x1880] =	vst v63  }
0xe2: {  	s25 =	sand.u32 $0x1FFFFFF0, s30  }
0xe3: {  	s31 =	rddreg [dreg:$0x1a];
	s25 =	sadd.s32 s3, s25;
	s28 =	spop (v2sf);
	(v2sf) =	vpush v32, $0xE  }
0xe4: {  	[tilespmem:s31], [sflag:$0x4] =	stream.linear.gather [hbm4b:s25+s1], $0x80, $0x38;
	[tilespmem:$0x1880] =	vst v63  }
0xe5: {  	s30 =	spop (v2sf);
	(v2sf) =	vpush v31, $0xE  }
0xe6: {  	s25 =	sand.u32 $0x1FFFFFF0, s28  }
0xe7: {  	s29 =	rddreg [dreg:$0x1b];
	s25 =	sadd.s32 s2, s25;
	s28 =	spop (v2sf)  }
0xe8: {  	(v2sf) =	vpush v32, $0xF;
	[tilespmem:s29], [sflag:$0x1] =	stream.linear.gather [hbm4b:s25+s1], $0x80, $0x38;
	[tilespmem:$0x1880] =	vst v63  }
0xe9: {  	s25 =	sand.u32 $0x1FFFFFF0, s30  }
0xea: {  	s31 =	rddreg [dreg:$0x1c];
	s30 =	spop (v2sf);
	s25 =	sadd.s32 s3, s25  }
0xeb: {  	(v2sf) =	vpush v31, $0xF;
	[tilespmem:s31], [sflag:$0x2] =	stream.linear.gather [hbm4b:s25+s1], $0x80, $0x38;
	[tilespmem:$0x1880] =	vst v63  }
0xec: {  	s25 =	sand.u32 $0x1FFFFFF0, s28  }
0xed: {  	s29 =	rddreg [dreg:$0x1d];
	s25 =	sadd.s32 s2, s25  }
0xee: {  	[tilespmem:s29], [sflag:$0x3] =	stream.linear.gather [hbm4b:s25+s1], $0x80, $0x38;
	[tilespmem:$0x1880] =	vst v63  }
0xef: {  	s25 =	sand.u32 $0x1FFFFFF0, s30  }
0xf0: {  	s31 =	rddreg [dreg:$0x1e];
	s25 =	sadd.s32 s3, s25  }
0xf1: {  	[tilespmem:s31], [sflag:$0x4] =	stream.linear.gather [hbm4b:s25+s1], $0x80, $0x38;
	[tilespmem:$0x1880] =	vst v63  }
0xf2: {  	s28 =	spop (v2sf)  }
0xf3: {  	s29 =	rddreg [dreg:$0x1f];
	s25 =	sand.u32 $0x1FFFFFF0, s28  }
0xf4: {  	s31 =	sld [smem:$0x7FB];
	s30 =	spop (v2sf);
	s25 =	sadd.s32 s2, s25  }
0xf5: {  	[tilespmem:s29], [sflag:$0x1] =	stream.linear.gather [hbm4b:s25+s1], $0x80, $0x38;
	[tilespmem:$0x1880] =	vst v63  }
0xf6: {  	s25 =	sand.u32 $0x1FFFFFF0, s30  }
0xf7: {  	s28 =	spop (v2sf);
	s29 =	sld [smem:$0x7FC];
	s25 =	sadd.s32 s3, s25  }
0xf8: {  	[tilespmem:s31], [sflag:$0x2] =	stream.linear.gather [hbm4b:s25+s1], $0x80, $0x38;
	[tilespmem:$0x1880] =	vst v63  }
0xf9: {  	s25 =	sand.u32 $0x1FFFFFF0, s28  }
0xfa: {  	s30 =	spop (v2sf);
	s31 =	sld [smem:$0x7FD];
	s25 =	sadd.s32 s2, s25  }
0xfb: {  	[tilespmem:s29], [sflag:$0x3] =	stream.linear.gather [hbm4b:s25+s1], $0x80, $0x38;
	[tilespmem:$0x1880] =	vst v63  }
0xfc: {  	s25 =	sand.u32 $0x1FFFFFF0, s30  }
0xfd: {  	s25 =	sadd.s32 s3, s25  }
0xfe: {  	[tilespmem:s31], [sflag:$0x4] =	stream.linear.gather [hbm4b:s25+s1], $0x80, $0x38;
	[tilespmem:$0x1880] =	vst v63  }
0xff: {  	_ =	swait.ge [sflag:s17], $0x80  }
0x100: {  	[sflag:s17] =	ssyncset.done $0x0  }
0x101: {  	[sflag:s17] =	ssyncadd.s32 $0xFFFFFF80  }
0x102: {  	_ =	swait.ge [sflag:s18], $0x80  }
0x103: {  	[sflag:s18] =	ssyncset.done $0x0  }
0x104: {  	[sflag:s18] =	ssyncadd.s32 $0xFFFFFF80  }
0x105: {  	_ =	swait.ge [sflag:s19], $0x80  }
0x106: {  	[sflag:s19] =	ssyncset.done $0x0  }
0x107: {  	[sflag:s19] =	ssyncadd.s32 $0xFFFFFF80  }
0x108: {  	_ =	swait.ge [sflag:s20], $0x80  }
0x109: {  	[sflag:s20] =	ssyncset.done $0x0  }
0x10a: {  	[sflag:s20] =	ssyncadd.s32 $0xFFFFFF80  }
0x10b: {  	_ =	swait.ge [sflag:s17], $0x80  }
0x10c: {  	[sflag:s17] =	ssyncset.done $0x0  }
0x10d: {  	[sflag:s17] =	ssyncadd.s32 $0xFFFFFF80  }
0x10e: {  	_ =	swait.ge [sflag:s18], $0x80  }
0x10f: {  	[sflag:s18] =	ssyncset.done $0x0  }
0x110: {  	[sflag:s18] =	ssyncadd.s32 $0xFFFFFF80  }
0x111: {  	_ =	swait.ge [sflag:s19], $0x80  }
0x112: {  	[sflag:s19] =	ssyncset.done $0x0  }
0x113: {  	[sflag:s19] =	ssyncadd.s32 $0xFFFFFF80  }
0x114: {  	_ =	swait.ge [sflag:s20], $0x80  }
0x115: {  	[sflag:s20] =	ssyncset.done $0x0  }
0x116: {  	[sflag:s20] =	ssyncadd.s32 $0xFFFFFF80  }
0x117: {  	_ =	swait.ge [sflag:s17], $0x80  }
0x118: {  	[sflag:s17] =	ssyncset.done $0x0  }
0x119: {  	[sflag:s17] =	ssyncadd.s32 $0xFFFFFF80  }
0x11a: {  	_ =	swait.ge [sflag:s18], $0x80  }
0x11b: {  	[sflag:s18] =	ssyncset.done $0x0  }
0x11c: {  	[sflag:s18] =	ssyncadd.s32 $0xFFFFFF80  }
0x11d: {  	_ =	swait.ge [sflag:s19], $0x80  }
0x11e: {  	[sflag:s19] =	ssyncset.done $0x0  }
0x11f: {  	[sflag:s19] =	ssyncadd.s32 $0xFFFFFF80  }
0x120: {  	_ =	swait.ge [sflag:s20], $0x80  }
0x121: {  	[sflag:s20] =	ssyncset.done $0x0  }
0x122: {  	[sflag:s20] =	ssyncadd.s32 $0xFFFFFF80  }
0x123: {  	_ =	swait.ge [sflag:s17], $0x80  }
0x124: {  	[sflag:s17] =	ssyncset.done $0x0  }
0x125: {  	[sflag:s17] =	ssyncadd.s32 $0xFFFFFF80  }
0x126: {  	_ =	swait.ge [sflag:s18], $0x80  }
0x127: {  	[sflag:s18] =	ssyncset.done $0x0  }
0x128: {  	[sflag:s18] =	ssyncadd.s32 $0xFFFFFF80  }
0x129: {  	_ =	swait.ge [sflag:s19], $0x80  }
0x12a: {  	[sflag:s19] =	ssyncset.done $0x0  }
0x12b: {  	[sflag:s19] =	ssyncadd.s32 $0xFFFFFF80  }
0x12c: {  	_ =	swait.ge [sflag:s20], $0x80  }
0x12d: {  	[sflag:s20] =	ssyncset.done $0x0  }
0x12e: {  	[sflag:s20] =	ssyncadd.s32 $0xFFFFFF80  }
0x12f: {  	v31 =	vld.idx.msk [tilespmem:v0+s15+$0x0], $0xffff  }
0x130: {  	v32 =	vld.idx.msk [tilespmem:v0+s16+$0x0], $0xffff;
	_ =	sdelay $0x1  }
0x131: {  	v38 =	vld [tilespmem:$0x1FF70];
	_ =	sdelay $0x1  }
0x132: {  	v39 =	vld [tilespmem:$0x1FF60]  }
0x133: {  	v40 =	vld.idx.msk [tilespmem:v1+s15+$0x0], $0xffff;
	v31 =	vmul.f32 v32, v31  }
0x134: {  	v34 =	vld.idx.msk [tilespmem:v1+s16+$0x0], $0xffff  }
0x135: {  	v35 =	vld.idx.msk [tilespmem:v2+s15+$0x0], $0xffff;
	v31 =	vmul.f32 v31, v38  }
0x136: {  	v36 =	vld.idx.msk [tilespmem:v2+s16+$0x0], $0xffff  }
0x137: {  	v31 =	vadd.f32 v31, v39;
	v39 =	vld [tilespmem:$0x1FF80];
	_ =	sdelay $0x1  }
0x138: {  	v33 =	vmul.f32 v34, v40;
	v40 =	vld [tilespmem:$0x1FF90];
	_ =	sdelay $0x1  }
0x139: {  	v37 =	vld.idx.msk [tilespmem:v3+s16+$0x0], $0xffff  }
0x13a: {  	v32 =	vld.idx.msk [tilespmem:v3+s15+$0x0], $0xffff;
	v35 =	vmul.f32 v36, v35;
	v33 =	vmul.f32 v33, v39;
	_ =	sdelay $0x1  }
0x13b: {  	v31 =	vadd.f32 v33, v31;
	v33 =	vmul.f32 v35, v40;
	v40 =	vld [tilespmem:$0x1FFA0];
	_ =	sdelay $0x1  }
0x13c: {  	v34 =	vld.idx.msk [tilespmem:v4+s15+$0x0], $0xffff  }
0x13d: {  	v38 =	vld.idx.msk [tilespmem:v4+s16+$0x0], $0xffff;
	v32 =	vmul.f32 v37, v32;
	_ =	sdelay $0x1  }
0x13e: {  	v32 =	vmul.f32 v32, v40;
	v40 =	vld [tilespmem:$0x1FFB0];
	_ =	sdelay $0x1  }
0x13f: {  	v36 =	vld.idx.msk [tilespmem:v5+s15+$0x0], $0xffff  }
0x140: {  	v39 =	vld.idx.msk [tilespmem:v5+s16+$0x0], $0xffff;
	v31 =	vadd.f32 v33, v31;
	v33 =	vmul.f32 v38, v34;
	_ =	sdelay $0x1  }
0x141: {  	v31 =	vadd.f32 v32, v31;
	v32 =	vmul.f32 v33, v40;
	v40 =	vld [tilespmem:$0x1FFC0];
	_ =	sdelay $0x1  }
0x142: {  	v37 =	vld.idx.msk [tilespmem:v6+s16+$0x0], $0xffff  }
0x143: {  	v35 =	vld.idx.msk [tilespmem:v6+s15+$0x0], $0xffff;
	v33 =	vmul.f32 v39, v36;
	_ =	sdelay $0x1  }
0x144: {  	v31 =	vadd.f32 v32, v31;
	v32 =	vmul.f32 v33, v40;
	v40 =	vld [tilespmem:$0x1FFD0];
	_ =	sdelay $0x1  }
0x145: {  	v34 =	vld.idx.msk [tilespmem:v7+s15+$0x0], $0xffff  }
0x146: {  	v38 =	vld.idx.msk [tilespmem:v7+s16+$0x0], $0xffff;
	v33 =	vmul.f32 v37, v35;
	_ =	sdelay $0x1  }
0x147: {  	v31 =	vadd.f32 v32, v31;
	v32 =	vmul.f32 v33, v40;
	v40 =	vld [tilespmem:$0x1FFE0]  }
0x148: {  	v36 =	vld.idx.msk [tilespmem:v8+s15+$0x0], $0xffff  }
0x149: {  	v39 =	vld.idx.msk [tilespmem:v8+s16+$0x0], $0xffff  }
0x14a: {  	v35 =	vld.idx.msk [tilespmem:v9+s15+$0x0], $0xffff;
	v33 =	vmul.f32 v38, v34  }
0x14b: {  	v37 =	vld.idx.msk [tilespmem:v9+s16+$0x0], $0xffff  }
0x14c: {  	v31 =	vadd.f32 v32, v31;
	v32 =	vmul.f32 v33, v40;
	v40 =	vld [tilespmem:$0x1FFF0]  }
0x14d: {  	v34 =	vld.idx.msk [tilespmem:v10+s15+$0x0], $0xffff  }
0x14e: {  	v38 =	vld.idx.msk [tilespmem:v10+s16+$0x0], $0xffff  }
0x14f: {  	v33 =	vmul.f32 v39, v36;
	v36 =	vld.idx.msk [tilespmem:v11+s15+$0x0], $0xffff  }
0x150: {  	v39 =	vld.idx.msk [tilespmem:v11+s16+$0x0], $0xffff  }
0x151: {  	v31 =	vadd.f32 v32, v31;
	v32 =	vmul.f32 v33, v40;
	v40 =	vmul.f32 v37, v35;
	v35 =	vld.idx.msk [tilespmem:v12+s15+$0x0], $0xffff  }
0x152: {  	v37 =	vld.idx.msk [tilespmem:v12+s16+$0x0], $0xffff  }
0x153: {  	v31 =	vadd.f32 v32, v31;
	v32 =	vmul.f32 v40, v41;
	v40 =	vmul.f32 v38, v34;
	v34 =	vld.idx.msk [tilespmem:v13+s15+$0x0], $0xffff  }
0x154: {  	v38 =	vld.idx.msk [tilespmem:v13+s16+$0x0], $0xffff  }
0x155: {  	v33 =	vmul.f32 v39, v36;
	v36 =	vld.idx.msk [tilespmem:v14+s15+$0x0], $0xffff;
	v31 =	vadd.f32 v32, v31;
	v32 =	vmul.f32 v40, v42  }
0x156: {  	v39 =	vld.idx.msk [tilespmem:v14+s16+$0x0], $0xffff  }
0x157: {  	v40 =	vmul.f32 v37, v35;
	v35 =	vld.idx.msk [tilespmem:v15+s15+$0x0], $0xffff;
	v31 =	vadd.f32 v32, v31;
	v32 =	vmul.f32 v33, v43  }
0x158: {  	v37 =	vld.idx.msk [tilespmem:v15+s16+$0x0], $0xffff  }
0x159: {  	v31 =	vadd.f32 v32, v31;
	v32 =	vmul.f32 v40, v44;
	v40 =	vmul.f32 v38, v34;
	v34 =	vld.idx.msk [tilespmem:v16+s15+$0x0], $0xffff  }
0x15a: {  	v38 =	vld.idx.msk [tilespmem:v16+s16+$0x0], $0xffff  }
0x15b: {  	v33 =	vmul.f32 v39, v36;
	v36 =	vld.idx.msk [tilespmem:v17+s15+$0x0], $0xffff;
	v31 =	vadd.f32 v32, v31;
	v32 =	vmul.f32 v40, v45  }
0x15c: {  	v39 =	vld.idx.msk [tilespmem:v17+s16+$0x0], $0xffff  }
0x15d: {  	v40 =	vmul.f32 v37, v35;
	v35 =	vld.idx.msk [tilespmem:v18+s15+$0x0], $0xffff;
	v31 =	vadd.f32 v32, v31;
	v32 =	vmul.f32 v33, v46  }
0x15e: {  	v37 =	vld.idx.msk [tilespmem:v18+s16+$0x0], $0xffff  }
0x15f: {  	v31 =	vadd.f32 v32, v31;
	v32 =	vmul.f32 v40, v47;
	v40 =	vmul.f32 v38, v34;
	v34 =	vld.idx.msk [tilespmem:v19+s15+$0x0], $0xffff  }
0x160: {  	v38 =	vld.idx.msk [tilespmem:v19+s16+$0x0], $0xffff  }
0x161: {  	v33 =	vmul.f32 v39, v36;
	v36 =	vld.idx.msk [tilespmem:v20+s15+$0x0], $0xffff;
	v31 =	vadd.f32 v32, v31;
	v32 =	vmul.f32 v40, v48  }
0x162: {  	v39 =	vld.idx.msk [tilespmem:v20+s16+$0x0], $0xffff  }
0x163: {  	v40 =	vmul.f32 v37, v35;
	v35 =	vld.idx.msk [tilespmem:v21+s15+$0x0], $0xffff;
	v31 =	vadd.f32 v32, v31;
	v32 =	vmul.f32 v33, v49  }
0x164: {  	v37 =	vld.idx.msk [tilespmem:v21+s16+$0x0], $0xffff  }
0x165: {  	v31 =	vadd.f32 v32, v31;
	v32 =	vmul.f32 v40, v50;
	v40 =	vmul.f32 v38, v34;
	v34 =	vld.idx.msk [tilespmem:v22+s15+$0x0], $0xffff  }
0x166: {  	v38 =	vld.idx.msk [tilespmem:v22+s16+$0x0], $0xffff  }
0x167: {  	v33 =	vmul.f32 v39, v36;
	v36 =	vld.idx.msk [tilespmem:v23+s15+$0x0], $0xffff;
	v31 =	vadd.f32 v32, v31;
	v32 =	vmul.f32 v40, v51  }
0x168: {  	v39 =	vld.idx.msk [tilespmem:v23+s16+$0x0], $0xffff  }
0x169: {  	v40 =	vmul.f32 v37, v35;
	v35 =	vld.idx.msk [tilespmem:v24+s15+$0x0], $0xffff;
	v31 =	vadd.f32 v32, v31;
	v32 =	vmul.f32 v33, v52  }
0x16a: {  	v37 =	vld.idx.msk [tilespmem:v24+s16+$0x0], $0xffff  }
0x16b: {  	v31 =	vadd.f32 v32, v31;
	v32 =	vmul.f32 v40, v53;
	v40 =	vmul.f32 v38, v34;
	v34 =	vld.idx.msk [tilespmem:v25+s15+$0x0], $0xffff  }
0x16c: {  	v38 =	vld.idx.msk [tilespmem:v25+s16+$0x0], $0xffff  }
0x16d: {  	v33 =	vmul.f32 v39, v36;
	v36 =	vld.idx.msk [tilespmem:v26+s15+$0x0], $0xffff;
	v31 =	vadd.f32 v32, v31;
	v32 =	vmul.f32 v40, v54  }
0x16e: {  	v39 =	vld.idx.msk [tilespmem:v26+s16+$0x0], $0xffff  }
0x16f: {  	v40 =	vmul.f32 v37, v35;
	v35 =	vld.idx.msk [tilespmem:v27+s15+$0x0], $0xffff;
	v31 =	vadd.f32 v32, v31;
	v32 =	vmul.f32 v33, v55  }
0x170: {  	v37 =	vld.idx.msk [tilespmem:v27+s16+$0x0], $0xffff  }
0x171: {  	v33 =	vmul.f32 v38, v34;
	v34 =	vld.idx.msk [tilespmem:v28+s15+$0x0], $0xffff;
	v31 =	vadd.f32 v32, v31;
	v32 =	vmul.f32 v40, v56  }
0x172: {  	v38 =	vld.idx.msk [tilespmem:v28+s16+$0x0], $0xffff;
	v40 =	vor.u32 $0x1F, v0  }
0x173: {  	v31 =	vadd.f32 v32, v31;
	v32 =	vmul.f32 v33, v57;
	v33 =	vmul.f32 v39, v36;
	v36 =	vld.idx.msk [tilespmem:v29+s15+$0x0], $0xffff  }
0x174: {  	v39 =	vld.idx.msk [tilespmem:v29+s16+$0x0], $0xffff  }
0x175: {  	v31 =	vadd.f32 v32, v31;
	v32 =	vmul.f32 v33, v58;
	v33 =	vmul.f32 v37, v35;
	v35 =	vld.idx.msk [tilespmem:v30+s15+$0x0], $0xffff  }
0x176: {  	v37 =	vld.idx.msk [tilespmem:v30+s16+$0x0], $0xffff  }
0x177: {  	v31 =	vadd.f32 v32, v31;
	v32 =	vmul.f32 v33, v59;
	v33 =	vmul.f32 v38, v34;
	v34 =	vld.idx.msk [tilespmem:v40+s15+$0x0], $0xffff  }
0x178: {  	v40 =	vld.idx.msk [tilespmem:v40+s16+$0x0], $0xffff  }
0x179: {  	v36 =	vmul.f32 v39, v36;
	v31 =	vadd.f32 v32, v31;
	v33 =	vmul.f32 v33, v60;
	_ =	sdelay $0x1  }
0x17a: {  	v39 =	vmul.f32 v37, v35;
	v32 =	vmul.f32 v36, v61;
	v31 =	vadd.f32 v33, v31;
	_ =	sdelay $0x1  }
0x17b: {  	v40 =	vmul.f32 v40, v34;
	v33 =	vmul.f32 v39, v62;
	v31 =	vadd.f32 v32, v31  }
0x17c: {  	p0 =	sne.s32 s23, $0x7C0  }
.Ltmp0:
0x17d: {  	v32 =	vmul.f32 v40, v63;
	v31 =	vadd.f32 v33, v31;
	(pc) =	sbr.rel @p0 .LBB2_2-.Ltmp0, $3  }
0x17e: {  	_ = 	snop  }
0x17f: {  	v31 =	vadd.f32 v32, v31;
	_ =	sdelay $0x1  }
0x180: {  	s23 =	sadd.s32 $0x40, s23;
	[tilespmem:s24+$0x1680] =	vst v31  }
0x181: {  	s22 =	sadd.s32 $0x1, s22  }
0x182: {  	p0 =	sne.s32 s22, s10  }
.Ltmp1:
0x183: {  	_ = 	snop;
	(pc) =	sbr.rel @p0 .LBB2_1-.Ltmp1, $4  }
0x184: {  	[hbm4b:s9+s1] =	stream.linear.scatter [tilespmem:s21], [sflag:$0x5], $0x200, $0x38;
	[tilespmem:$0x1880] =	vst v63  }
0x185: {  	_ =	swait.ge [sflag:s11], $0x200  }
0x186: {  	[sflag:s11] =	ssyncset.done $0x0  }
0x187: {  	[sflag:s11] =	ssyncadd.s32 $0xFFFFFE00  }
0x188: {  	_ =	sfence.sel $0x180000  }
0x189: {  	[bflag:$0x0] =	sbarrier.arrive $0xFFFF  }
0x18a: {  	p0 =	sne.s32 s6, $0x0;
	_ =	strace $0x90000047  }
0x18b: {  	s0 =	sadd.s32 @!p0 $0x100000, s0;
	[bflag:$0x2] =	sbarrier.arrive $0xFFFF  }
0x18c: {  	[sflag:s0] =	ssyncadd.tile.s32 @!p0 $0x1;
	_ =	shalt  }
.Lfunc_end2:
_tile_overlayer_lowered:
.L_overlay_start_2:
0x18d: {  	(tag) =	ssettag $0x2  }
0x18e: {  	s0 =	rddreg [dreg:$0x0];
	s2 =	stileid.u32  }
0x18f: {  	s1 =	rddreg [dreg:$0x1];
	p0 =	sne.s32 s2, $0x0  }
0x190: {  	s3 =	rddreg [dreg:$0x2];
	[bflag:$0x3] =	sbarrier.arrive $0xFFFF;
	s2 =	simm.s32 @!p0 $0x1C05  }
0x191: {  	[timem:s3], [sflag:s2] =	dma.local @!p0 [hbm:s0], s1  }
0x192: {  	s0 =	simm.s32 @!p0 $0x5  }
0x193: {  	_ =	swait.ge @!p0 [sflag:s0], s1  }
0x194: {  	s1 =	ssub.s32 @!p0 $0x0, s1;
	[sflag:s0] =	ssyncset.done @!p0 $0x0  }
0x195: {  	[sflag:s0] =	ssyncadd.s32 @!p0 s1  }
0x196: {  	[bflag:$0x3] =	sbarrier.arrive $0xFFFF  }
0x197: {  	_ =	shalt  }

</sc_bundles>
